<compile_context>
chip_gen: v7x
topology: tpu7x:2x2x1
jax: 0.10.2.dev20260603
libtpu: 0.0.44.dev20260713+nightly
codegen_flags: <defaults>
</compile_context>

<pallas_src>
import functools

import jax
import jax.numpy as jnp
from jax import lax
from jax.experimental import pallas as pl
from jax.experimental.pallas import tpu as pltpu
from jax.experimental.pallas import tpu_sc as plsc

DIM = 128
ROWS = 10000
CH = 128
NCH = 200
NBUF = 3
NC = 2
NS = 16
NW = NC * NS
NIDX = 2 * NBUF
NROUNDS = NCH // NIDX
NTAIL = NCH - NROUNDS * NIDX


@functools.partial(
    pl.kernel,
    out_type=jax.ShapeDtypeStruct((NW * NCH * CH, DIM), jnp.float32),
    mesh=plsc.VectorSubcoreMesh(core_axis_name="c", subcore_axis_name="s"),
    scratch_types=[
        pltpu.VMEM((NIDX, CH), jnp.int32),
        pltpu.VMEM((NBUF, CH, DIM), jnp.float32),
        pltpu.VMEM_SHARED((ROWS, DIM), jnp.float32),
        pltpu.SemaphoreType.DMA((NIDX,)),
        pltpu.SemaphoreType.DMA((NBUF,)),
        pltpu.SemaphoreType.DMA((NBUF,)),
        pltpu.SemaphoreType.DMA,
    ],
)
def _sc_gather(x_hbm, table_hbm, out_hbm, idx_v, rows_v, table_sh, isem, gsem, ssem, tsem):
    wid = lax.axis_index("s") * NC + lax.axis_index("c")
    base = wid * (NCH * CH)

    sid = lax.axis_index("s")

    @pl.when(sid < 15)
    def _():
        pltpu.async_copy(
            table_hbm.at[pl.ds(sid * 624, 624)],
            table_sh.at[pl.ds(sid * 624, 624)],
            tsem,
        )

    @pl.when(sid == 15)
    def _():
        pltpu.async_copy(
            table_hbm.at[pl.ds(15 * 624, 640)],
            table_sh.at[pl.ds(15 * 624, 640)],
            tsem,
        )

    for i in range(NIDX):
        pltpu.async_copy(x_hbm.at[wid, i], idx_v.at[i], isem.at[i])

    for b in range(NBUF):
        pltpu.make_async_copy(x_hbm.at[wid, b], idx_v.at[b], isem.at[b]).wait()
        pltpu.async_copy(table_hbm.at[idx_v.at[b]], rows_v.at[b], gsem.at[b])

    @pl.when(sid < 15)
    def _():
        pltpu.make_async_copy(
            table_hbm.at[pl.ds(sid * 624, 624)],
            table_sh.at[pl.ds(sid * 624, 624)],
            tsem,
        ).wait()

    @pl.when(sid == 15)
    def _():
        pltpu.make_async_copy(
            table_hbm.at[pl.ds(15 * 624, 640)],
            table_sh.at[pl.ds(15 * 624, 640)],
            tsem,
        ).wait()

    plsc.subcore_barrier()

    @pl.loop(0, NROUNDS)
    def _round(g):
        for i in range(NIDX):
            j = g * NIDX + i
            b = i % NBUF
            pltpu.make_async_copy(
                table_sh.at[idx_v.at[i]], rows_v.at[b], gsem.at[b]
            ).wait()
            pltpu.async_copy(
                rows_v.at[b], out_hbm.at[pl.ds(base + j * CH, CH)], ssem.at[b]
            )

            @pl.when(j + NIDX < NCH)
            def _():
                pltpu.async_copy(
                    x_hbm.at[wid, j + NIDX], idx_v.at[i], isem.at[i]
                )

            @pl.when(j + NBUF < NCH)
            def _():
                sn = (i + NBUF) % NIDX
                pltpu.make_async_copy(
                    rows_v.at[b],
                    out_hbm.at[pl.ds(base + j * CH, CH)],
                    ssem.at[b],
                ).wait()
                pltpu.make_async_copy(
                    x_hbm.at[wid, j + NBUF], idx_v.at[sn], isem.at[sn]
                ).wait()
                pltpu.async_copy(
                    table_sh.at[idx_v.at[sn]], rows_v.at[b], gsem.at[b]
                )

    for b in range(NTAIL):
        j = NROUNDS * NIDX + b
        pltpu.make_async_copy(
            table_sh.at[idx_v.at[b]], rows_v.at[b], gsem.at[b]
        ).wait()
        pltpu.async_copy(
            rows_v.at[b], out_hbm.at[pl.ds(base + j * CH, CH)], ssem.at[b]
        )

    for b in range(NBUF):
        j = NCH - NBUF + b
        pltpu.make_async_copy(
            rows_v.at[b], out_hbm.at[pl.ds(base + j * CH, CH)], ssem.at[b]
        ).wait()


def kernel(x, embedding):
    x2 = x.reshape(NW, NCH, CH)
    out = _sc_gather(x2, embedding)
    return out.reshape(x.shape[0], x.shape[1], DIM)

# --- scband reference (transcript-rebuilt; emitter-appended) ---
"""Pipeline reference for scband-positional-embedding-32736240730323 (READ-ONLY COPY).

The authoritative reference and input builder live on the scoring server;
editing this copy changes nothing except your own understanding.
"""

import jax, jax.numpy as jnp
import numpy as np
import math

DIM = 128
MAX_LENGTH = 10000
BATCH = 4096
HIST = 200


def make_embedding(dim, max_length=10000):
    position = np.arange(0, max_length, dtype=np.float64)[:, None]
    div_term = np.exp(np.arange(0, dim, 2, dtype=np.float64) * (-math.log(max_length / 2 / math.pi) / dim))
    embedding = np.zeros((max_length, dim), dtype=np.float32)
    embedding[:, 0::2] = np.sin(position * div_term).astype(np.float32)
    embedding[:, 1::2] = np.cos(position * div_term).astype(np.float32)
    return jnp.asarray(embedding)


def setup_inputs(seed: int = 0) -> dict:
    key = jax.random.key(seed)
    x = jax.random.randint(key, (BATCH, HIST), 0, MAX_LENGTH, dtype=jnp.int32)
    embedding = make_embedding(DIM, MAX_LENGTH)
    return {"x": x, "embedding": embedding}


def reference(x, embedding):
    # PositionalEmbedding.forward: self.embedding[x]
    return jnp.take(embedding, x, axis=0)

if __name__ == "__main__":
    import jax
    _d = setup_inputs()
    print(jax.jit(kernel)(*tuple(_d.values())))

</pallas_src>

<mosaic_0001>
#map = affine_map<(d0, d1) -> (0, 0, 0)>
#map1 = affine_map<(d0, d1) -> (0, 0)>
module attributes {stable_mosaic.version = 14 : i64} {
  func.func @_sc_gather(%arg0: i32, %arg1: i32, %arg2: memref<32x200x128xi32, #tpu.memory_space<hbm>>, %arg3: memref<10000x128xf32, #tpu.memory_space<hbm>>, %arg4: memref<819200x128xf32, #tpu.memory_space<hbm>>, %arg5: memref<6x128xi32, #tpu.memory_space<vmem>>, %arg6: memref<3x128x128xf32, #tpu.memory_space<vmem>>, %arg7: memref<10000x128xf32, #tpu.memory_space<vmem_shared>>, %arg8: memref<6x!tpu.dma_semaphore, #tpu.memory_space<semaphore_mem>>, %arg9: memref<3x!tpu.dma_semaphore, #tpu.memory_space<semaphore_mem>>, %arg10: memref<3x!tpu.dma_semaphore, #tpu.memory_space<semaphore_mem>>, %arg11: memref<!tpu.dma_semaphore, #tpu.memory_space<semaphore_mem>>) attributes {dimension_semantics = [#tpu.dimension_semantics<core_parallel>, #tpu.dimension_semantics<subcore_parallel>], iteration_bounds = array<i64: 2, 16>, scalar_prefetch = 0 : i64, scratch_operands = 7 : i64, tpu.core_type = #tpu.core_type<sc_vector_subcore>, window_params = [{transform_indices = #map}, {transform_indices = #map1}, {transform_indices = #map1}]} {
    %mul3A = arith.constant 2 : i32
    %mul3A_0 = arith.muli %arg1, %mul3A : i32
    %add3A = arith.addi %mul3A_0, %arg0 : i32
    %mul3A_1 = arith.constant 25600 : i32
    %mul3A_2 = arith.muli %add3A, %mul3A_1 : i32
    %lt3A = arith.constant 15 : i32
    %lt3A_3 = arith.cmpi slt, %arg1, %lt3A : i32
    %convert_element_type3A = arith.extui %lt3A_3 : i1 to i32
    %cond3A = arith.constant 0 : i32
    %cond3A_4 = arith.cmpi ne, %convert_element_type3A, %cond3A : i32
    scf.if %cond3A_4 {
      %mul3A_339 = arith.constant 624 : i32
      %mul3A_340 = arith.muli %arg1, %mul3A_339 : i32
      %mul3A_341 = arith.constant 624 : i32
      %mul3A_342 = arith.muli %arg1, %mul3A_341 : i32
      %dma_start3A_343 = arith.constant 0 : i32
      %dma_start3A_344 = tpu.memref_slice %arg7[%mul3A_342, %dma_start3A_343] : memref<10000x128xf32, #tpu.memory_space<vmem_shared>> -> memref<624x128xf32, #tpu.memory_space<vmem_shared>>
      %dma_start3A_345 = arith.constant 0 : i32
      %dma_start3A_346 = tpu.memref_slice %arg3[%mul3A_340, %dma_start3A_345] : memref<10000x128xf32, #tpu.memory_space<hbm>> -> memref<624x128xf32, #tpu.memory_space<hbm>>
      tpu.enqueue_dma source(%dma_start3A_346 : memref<624x128xf32, #tpu.memory_space<hbm>>) target(%dma_start3A_344 : memref<624x128xf32, #tpu.memory_space<vmem_shared>>) target_semaphore(%arg11 : memref<!tpu.dma_semaphore, #tpu.memory_space<semaphore_mem>>)
    } else {
    }
    %eq3A = arith.constant 15 : i32
    %eq3A_5 = arith.cmpi eq, %arg1, %eq3A : i32
    %convert_element_type3A_6 = arith.extui %eq3A_5 : i1 to i32
    %cond3A_7 = arith.constant 0 : i32
    %cond3A_8 = arith.cmpi ne, %convert_element_type3A_6, %cond3A_7 : i32
    scf.if %cond3A_8 {
      %dma_start3A_339 = arith.constant 9360 : i32
      %dma_start3A_340 = arith.constant 0 : i32
      %dma_start3A_341 = tpu.memref_slice %arg7[%dma_start3A_339, %dma_start3A_340] : memref<10000x128xf32, #tpu.memory_space<vmem_shared>> -> memref<640x128xf32, #tpu.memory_space<vmem_shared>>
      %dma_start3A_342 = arith.constant 9360 : i32
      %dma_start3A_343 = arith.constant 0 : i32
      %dma_start3A_344 = tpu.memref_slice %arg3[%dma_start3A_342, %dma_start3A_343] : memref<10000x128xf32, #tpu.memory_space<hbm>> -> memref<640x128xf32, #tpu.memory_space<hbm>>
      tpu.enqueue_dma source(%dma_start3A_344 : memref<640x128xf32, #tpu.memory_space<hbm>>) target(%dma_start3A_341 : memref<640x128xf32, #tpu.memory_space<vmem_shared>>) target_semaphore(%arg11 : memref<!tpu.dma_semaphore, #tpu.memory_space<semaphore_mem>>)
    } else {
    }
    %dma_start3A = arith.constant 0 : i32
    %dma_start3A_9 = arith.constant 0 : i32
    %dma_start3A_10 = arith.constant 0 : i32
    %dma_start3A_11 = arith.constant 0 : i32
    %dma_start3A_12 = tpu.memref_slice %arg5[%dma_start3A_9, %dma_start3A_11] : memref<6x128xi32, #tpu.memory_space<vmem>> -> memref<1x128xi32, #tpu.memory_space<vmem>>
    %dma_start3A_13 = tpu.memref_squeeze %dma_start3A_12 : memref<1x128xi32, #tpu.memory_space<vmem>> -> memref<128xi32, #tpu.memory_space<vmem>>
    %dma_start3A_14 = arith.constant 0 : i32
    %dma_start3A_15 = tpu.memref_slice %arg2[%add3A, %dma_start3A, %dma_start3A_14] : memref<32x200x128xi32, #tpu.memory_space<hbm>> -> memref<1x1x128xi32, #tpu.memory_space<hbm>>
    %dma_start3A_16 = tpu.memref_squeeze %dma_start3A_15 : memref<1x1x128xi32, #tpu.memory_space<hbm>> -> memref<128xi32, #tpu.memory_space<hbm>>
    %dma_start3A_17 = tpu.memref_slice %arg8[%dma_start3A_10] : memref<6x!tpu.dma_semaphore, #tpu.memory_space<semaphore_mem>> -> memref<1x!tpu.dma_semaphore, #tpu.memory_space<semaphore_mem>>
    %dma_start3A_18 = tpu.memref_squeeze %dma_start3A_17 : memref<1x!tpu.dma_semaphore, #tpu.memory_space<semaphore_mem>> -> memref<!tpu.dma_semaphore, #tpu.memory_space<semaphore_mem>>
    %dma_start3A_19 = arith.constant 0 : i32
    %dma_start3A_20 = tpu.memref_slice %arg5[%dma_start3A_9, %dma_start3A_19] : memref<6x128xi32, #tpu.memory_space<vmem>> -> memref<1x128xi32, #tpu.memory_space<vmem>>
    %dma_start3A_21 = tpu.memref_squeeze %dma_start3A_20 : memref<1x128xi32, #tpu.memory_space<vmem>> -> memref<128xi32, #tpu.memory_space<vmem>>
    %dma_start3A_22 = arith.constant 0 : i32
    %dma_start3A_23 = tpu.memref_slice %arg2[%add3A, %dma_start3A, %dma_start3A_22] : memref<32x200x128xi32, #tpu.memory_space<hbm>> -> memref<1x1x128xi32, #tpu.memory_space<hbm>>
    %dma_start3A_24 = tpu.memref_squeeze %dma_start3A_23 : memref<1x1x128xi32, #tpu.memory_space<hbm>> -> memref<128xi32, #tpu.memory_space<hbm>>
    tpu.enqueue_dma source(%dma_start3A_24 : memref<128xi32, #tpu.memory_space<hbm>>) target(%dma_start3A_21 : memref<128xi32, #tpu.memory_space<vmem>>) target_semaphore(%dma_start3A_18 : memref<!tpu.dma_semaphore, #tpu.memory_space<semaphore_mem>>)
    %dma_start3A_25 = arith.constant 1 : i32
    %dma_start3A_26 = arith.constant 1 : i32
    %dma_start3A_27 = arith.constant 1 : i32
    %dma_start3A_28 = arith.constant 0 : i32
    %dma_start3A_29 = tpu.memref_slice %arg5[%dma_start3A_26, %dma_start3A_28] : memref<6x128xi32, #tpu.memory_space<vmem>> -> memref<1x128xi32, #tpu.memory_space<vmem>>
    %dma_start3A_30 = tpu.memref_squeeze %dma_start3A_29 : memref<1x128xi32, #tpu.memory_space<vmem>> -> memref<128xi32, #tpu.memory_space<vmem>>
    %dma_start3A_31 = arith.constant 0 : i32
    %dma_start3A_32 = tpu.memref_slice %arg2[%add3A, %dma_start3A_25, %dma_start3A_31] : memref<32x200x128xi32, #tpu.memory_space<hbm>> -> memref<1x1x128xi32, #tpu.memory_space<hbm>>
    %dma_start3A_33 = tpu.memref_squeeze %dma_start3A_32 : memref<1x1x128xi32, #tpu.memory_space<hbm>> -> memref<128xi32, #tpu.memory_space<hbm>>
    %dma_start3A_34 = tpu.memref_slice %arg8[%dma_start3A_27] : memref<6x!tpu.dma_semaphore, #tpu.memory_space<semaphore_mem>> -> memref<1x!tpu.dma_semaphore, #tpu.memory_space<semaphore_mem>>
    %dma_start3A_35 = tpu.memref_squeeze %dma_start3A_34 : memref<1x!tpu.dma_semaphore, #tpu.memory_space<semaphore_mem>> -> memref<!tpu.dma_semaphore, #tpu.memory_space<semaphore_mem>>
    %dma_start3A_36 = arith.constant 0 : i32
    %dma_start3A_37 = tpu.memref_slice %arg5[%dma_start3A_26, %dma_start3A_36] : memref<6x128xi32, #tpu.memory_space<vmem>> -> memref<1x128xi32, #tpu.memory_space<vmem>>
    %dma_start3A_38 = tpu.memref_squeeze %dma_start3A_37 : memref<1x128xi32, #tpu.memory_space<vmem>> -> memref<128xi32, #tpu.memory_space<vmem>>
    %dma_start3A_39 = arith.constant 0 : i32
    %dma_start3A_40 = tpu.memref_slice %arg2[%add3A, %dma_start3A_25, %dma_start3A_39] : memref<32x200x128xi32, #tpu.memory_space<hbm>> -> memref<1x1x128xi32, #tpu.memory_space<hbm>>
    %dma_start3A_41 = tpu.memref_squeeze %dma_start3A_40 : memref<1x1x128xi32, #tpu.memory_space<hbm>> -> memref<128xi32, #tpu.memory_space<hbm>>
    tpu.enqueue_dma source(%dma_start3A_41 : memref<128xi32, #tpu.memory_space<hbm>>) target(%dma_start3A_38 : memref<128xi32, #tpu.memory_space<vmem>>) target_semaphore(%dma_start3A_35 : memref<!tpu.dma_semaphore, #tpu.memory_space<semaphore_mem>>)
    %dma_start3A_42 = arith.constant 2 : i32
    %dma_start3A_43 = arith.constant 2 : i32
    %dma_start3A_44 = arith.constant 2 : i32
    %dma_start3A_45 = arith.constant 0 : i32
    %dma_start3A_46 = tpu.memref_slice %arg5[%dma_start3A_43, %dma_start3A_45] : memref<6x128xi32, #tpu.memory_space<vmem>> -> memref<1x128xi32, #tpu.memory_space<vmem>>
    %dma_start3A_47 = tpu.memref_squeeze %dma_start3A_46 : memref<1x128xi32, #tpu.memory_space<vmem>> -> memref<128xi32, #tpu.memory_space<vmem>>
    %dma_start3A_48 = arith.constant 0 : i32
    %dma_start3A_49 = tpu.memref_slice %arg2[%add3A, %dma_start3A_42, %dma_start3A_48] : memref<32x200x128xi32, #tpu.memory_space<hbm>> -> memref<1x1x128xi32, #tpu.memory_space<hbm>>
    %dma_start3A_50 = tpu.memref_squeeze %dma_start3A_49 : memref<1x1x128xi32, #tpu.memory_space<hbm>> -> memref<128xi32, #tpu.memory_space<hbm>>
    %dma_start3A_51 = tpu.memref_slice %arg8[%dma_start3A_44] : memref<6x!tpu.dma_semaphore, #tpu.memory_space<semaphore_mem>> -> memref<1x!tpu.dma_semaphore, #tpu.memory_space<semaphore_mem>>
    %dma_start3A_52 = tpu.memref_squeeze %dma_start3A_51 : memref<1x!tpu.dma_semaphore, #tpu.memory_space<semaphore_mem>> -> memref<!tpu.dma_semaphore, #tpu.memory_space<semaphore_mem>>
    %dma_start3A_53 = arith.constant 0 : i32
    %dma_start3A_54 = tpu.memref_slice %arg5[%dma_start3A_43, %dma_start3A_53] : memref<6x128xi32, #tpu.memory_space<vmem>> -> memref<1x128xi32, #tpu.memory_space<vmem>>
    %dma_start3A_55 = tpu.memref_squeeze %dma_start3A_54 : memref<1x128xi32, #tpu.memory_space<vmem>> -> memref<128xi32, #tpu.memory_space<vmem>>
    %dma_start3A_56 = arith.constant 0 : i32
    %dma_start3A_57 = tpu.memref_slice %arg2[%add3A, %dma_start3A_42, %dma_start3A_56] : memref<32x200x128xi32, #tpu.memory_space<hbm>> -> memref<1x1x128xi32, #tpu.memory_space<hbm>>
    %dma_start3A_58 = tpu.memref_squeeze %dma_start3A_57 : memref<1x1x128xi32, #tpu.memory_space<hbm>> -> memref<128xi32, #tpu.memory_space<hbm>>
    tpu.enqueue_dma source(%dma_start3A_58 : memref<128xi32, #tpu.memory_space<hbm>>) target(%dma_start3A_55 : memref<128xi32, #tpu.memory_space<vmem>>) target_semaphore(%dma_start3A_52 : memref<!tpu.dma_semaphore, #tpu.memory_space<semaphore_mem>>)
    %dma_start3A_59 = arith.constant 3 : i32
    %dma_start3A_60 = arith.constant 3 : i32
    %dma_start3A_61 = arith.constant 3 : i32
    %dma_start3A_62 = arith.constant 0 : i32
    %dma_start3A_63 = tpu.memref_slice %arg5[%dma_start3A_60, %dma_start3A_62] : memref<6x128xi32, #tpu.memory_space<vmem>> -> memref<1x128xi32, #tpu.memory_space<vmem>>
    %dma_start3A_64 = tpu.memref_squeeze %dma_start3A_63 : memref<1x128xi32, #tpu.memory_space<vmem>> -> memref<128xi32, #tpu.memory_space<vmem>>
    %dma_start3A_65 = arith.constant 0 : i32
    %dma_start3A_66 = tpu.memref_slice %arg2[%add3A, %dma_start3A_59, %dma_start3A_65] : memref<32x200x128xi32, #tpu.memory_space<hbm>> -> memref<1x1x128xi32, #tpu.memory_space<hbm>>
    %dma_start3A_67 = tpu.memref_squeeze %dma_start3A_66 : memref<1x1x128xi32, #tpu.memory_space<hbm>> -> memref<128xi32, #tpu.memory_space<hbm>>
    %dma_start3A_68 = tpu.memref_slice %arg8[%dma_start3A_61] : memref<6x!tpu.dma_semaphore, #tpu.memory_space<semaphore_mem>> -> memref<1x!tpu.dma_semaphore, #tpu.memory_space<semaphore_mem>>
    %dma_start3A_69 = tpu.memref_squeeze %dma_start3A_68 : memref<1x!tpu.dma_semaphore, #tpu.memory_space<semaphore_mem>> -> memref<!tpu.dma_semaphore, #tpu.memory_space<semaphore_mem>>
    %dma_start3A_70 = arith.constant 0 : i32
    %dma_start3A_71 = tpu.memref_slice %arg5[%dma_start3A_60, %dma_start3A_70] : memref<6x128xi32, #tpu.memory_space<vmem>> -> memref<1x128xi32, #tpu.memory_space<vmem>>
    %dma_start3A_72 = tpu.memref_squeeze %dma_start3A_71 : memref<1x128xi32, #tpu.memory_space<vmem>> -> memref<128xi32, #tpu.memory_space<vmem>>
    %dma_start3A_73 = arith.constant 0 : i32
    %dma_start3A_74 = tpu.memref_slice %arg2[%add3A, %dma_start3A_59, %dma_start3A_73] : memref<32x200x128xi32, #tpu.memory_space<hbm>> -> memref<1x1x128xi32, #tpu.memory_space<hbm>>
    %dma_start3A_75 = tpu.memref_squeeze %dma_start3A_74 : memref<1x1x128xi32, #tpu.memory_space<hbm>> -> memref<128xi32, #tpu.memory_space<hbm>>
    tpu.enqueue_dma source(%dma_start3A_75 : memref<128xi32, #tpu.memory_space<hbm>>) target(%dma_start3A_72 : memref<128xi32, #tpu.memory_space<vmem>>) target_semaphore(%dma_start3A_69 : memref<!tpu.dma_semaphore, #tpu.memory_space<semaphore_mem>>)
    %dma_start3A_76 = arith.constant 4 : i32
    %dma_start3A_77 = arith.constant 4 : i32
    %dma_start3A_78 = arith.constant 4 : i32
    %dma_start3A_79 = arith.constant 0 : i32
    %dma_start3A_80 = tpu.memref_slice %arg5[%dma_start3A_77, %dma_start3A_79] : memref<6x128xi32, #tpu.memory_space<vmem>> -> memref<1x128xi32, #tpu.memory_space<vmem>>
    %dma_start3A_81 = tpu.memref_squeeze %dma_start3A_80 : memref<1x128xi32, #tpu.memory_space<vmem>> -> memref<128xi32, #tpu.memory_space<vmem>>
    %dma_start3A_82 = arith.constant 0 : i32
    %dma_start3A_83 = tpu.memref_slice %arg2[%add3A, %dma_start3A_76, %dma_start3A_82] : memref<32x200x128xi32, #tpu.memory_space<hbm>> -> memref<1x1x128xi32, #tpu.memory_space<hbm>>
    %dma_start3A_84 = tpu.memref_squeeze %dma_start3A_83 : memref<1x1x128xi32, #tpu.memory_space<hbm>> -> memref<128xi32, #tpu.memory_space<hbm>>
    %dma_start3A_85 = tpu.memref_slice %arg8[%dma_start3A_78] : memref<6x!tpu.dma_semaphore, #tpu.memory_space<semaphore_mem>> -> memref<1x!tpu.dma_semaphore, #tpu.memory_space<semaphore_mem>>
    %dma_start3A_86 = tpu.memref_squeeze %dma_start3A_85 : memref<1x!tpu.dma_semaphore, #tpu.memory_space<semaphore_mem>> -> memref<!tpu.dma_semaphore, #tpu.memory_space<semaphore_mem>>
    %dma_start3A_87 = arith.constant 0 : i32
    %dma_start3A_88 = tpu.memref_slice %arg5[%dma_start3A_77, %dma_start3A_87] : memref<6x128xi32, #tpu.memory_space<vmem>> -> memref<1x128xi32, #tpu.memory_space<vmem>>
    %dma_start3A_89 = tpu.memref_squeeze %dma_start3A_88 : memref<1x128xi32, #tpu.memory_space<vmem>> -> memref<128xi32, #tpu.memory_space<vmem>>
    %dma_start3A_90 = arith.constant 0 : i32
    %dma_start3A_91 = tpu.memref_slice %arg2[%add3A, %dma_start3A_76, %dma_start3A_90] : memref<32x200x128xi32, #tpu.memory_space<hbm>> -> memref<1x1x128xi32, #tpu.memory_space<hbm>>
    %dma_start3A_92 = tpu.memref_squeeze %dma_start3A_91 : memref<1x1x128xi32, #tpu.memory_space<hbm>> -> memref<128xi32, #tpu.memory_space<hbm>>
    tpu.enqueue_dma source(%dma_start3A_92 : memref<128xi32, #tpu.memory_space<hbm>>) target(%dma_start3A_89 : memref<128xi32, #tpu.memory_space<vmem>>) target_semaphore(%dma_start3A_86 : memref<!tpu.dma_semaphore, #tpu.memory_space<semaphore_mem>>)
    %dma_start3A_93 = arith.constant 5 : i32
    %dma_start3A_94 = arith.constant 5 : i32
    %dma_start3A_95 = arith.constant 5 : i32
    %dma_start3A_96 = arith.constant 0 : i32
    %dma_start3A_97 = tpu.memref_slice %arg5[%dma_start3A_94, %dma_start3A_96] : memref<6x128xi32, #tpu.memory_space<vmem>> -> memref<1x128xi32, #tpu.memory_space<vmem>>
    %dma_start3A_98 = tpu.memref_squeeze %dma_start3A_97 : memref<1x128xi32, #tpu.memory_space<vmem>> -> memref<128xi32, #tpu.memory_space<vmem>>
    %dma_start3A_99 = arith.constant 0 : i32
    %dma_start3A_100 = tpu.memref_slice %arg2[%add3A, %dma_start3A_93, %dma_start3A_99] : memref<32x200x128xi32, #tpu.memory_space<hbm>> -> memref<1x1x128xi32, #tpu.memory_space<hbm>>
    %dma_start3A_101 = tpu.memref_squeeze %dma_start3A_100 : memref<1x1x128xi32, #tpu.memory_space<hbm>> -> memref<128xi32, #tpu.memory_space<hbm>>
    %dma_start3A_102 = tpu.memref_slice %arg8[%dma_start3A_95] : memref<6x!tpu.dma_semaphore, #tpu.memory_space<semaphore_mem>> -> memref<1x!tpu.dma_semaphore, #tpu.memory_space<semaphore_mem>>
    %dma_start3A_103 = tpu.memref_squeeze %dma_start3A_102 : memref<1x!tpu.dma_semaphore, #tpu.memory_space<semaphore_mem>> -> memref<!tpu.dma_semaphore, #tpu.memory_space<semaphore_mem>>
    %dma_start3A_104 = arith.constant 0 : i32
    %dma_start3A_105 = tpu.memref_slice %arg5[%dma_start3A_94, %dma_start3A_104] : memref<6x128xi32, #tpu.memory_space<vmem>> -> memref<1x128xi32, #tpu.memory_space<vmem>>
    %dma_start3A_106 = tpu.memref_squeeze %dma_start3A_105 : memref<1x128xi32, #tpu.memory_space<vmem>> -> memref<128xi32, #tpu.memory_space<vmem>>
    %dma_start3A_107 = arith.constant 0 : i32
    %dma_start3A_108 = tpu.memref_slice %arg2[%add3A, %dma_start3A_93, %dma_start3A_107] : memref<32x200x128xi32, #tpu.memory_space<hbm>> -> memref<1x1x128xi32, #tpu.memory_space<hbm>>
    %dma_start3A_109 = tpu.memref_squeeze %dma_start3A_108 : memref<1x1x128xi32, #tpu.memory_space<hbm>> -> memref<128xi32, #tpu.memory_space<hbm>>
    tpu.enqueue_dma source(%dma_start3A_109 : memref<128xi32, #tpu.memory_space<hbm>>) target(%dma_start3A_106 : memref<128xi32, #tpu.memory_space<vmem>>) target_semaphore(%dma_start3A_103 : memref<!tpu.dma_semaphore, #tpu.memory_space<semaphore_mem>>)
    %dma_wait3A = arith.constant 0 : i32
    %dma_wait3A_110 = arith.constant 0 : i32
    %dma_wait3A_111 = arith.constant 0 : i32
    %dma_wait3A_112 = arith.constant 0 : i32
    %dma_wait3A_113 = tpu.memref_slice %arg5[%dma_wait3A_110, %dma_wait3A_112] : memref<6x128xi32, #tpu.memory_space<vmem>> -> memref<1x128xi32, #tpu.memory_space<vmem>>
    %dma_wait3A_114 = tpu.memref_squeeze %dma_wait3A_113 : memref<1x128xi32, #tpu.memory_space<vmem>> -> memref<128xi32, #tpu.memory_space<vmem>>
    %dma_wait3A_115 = arith.constant 0 : i32
    %dma_wait3A_116 = tpu.memref_slice %arg2[%add3A, %dma_wait3A, %dma_wait3A_115] : memref<32x200x128xi32, #tpu.memory_space<hbm>> -> memref<1x1x128xi32, #tpu.memory_space<hbm>>
    %dma_wait3A_117 = tpu.memref_squeeze %dma_wait3A_116 : memref<1x1x128xi32, #tpu.memory_space<hbm>> -> memref<128xi32, #tpu.memory_space<hbm>>
    %dma_wait3A_118 = tpu.memref_slice %arg8[%dma_wait3A_111] : memref<6x!tpu.dma_semaphore, #tpu.memory_space<semaphore_mem>> -> memref<1x!tpu.dma_semaphore, #tpu.memory_space<semaphore_mem>>
    %dma_wait3A_119 = tpu.memref_squeeze %dma_wait3A_118 : memref<1x!tpu.dma_semaphore, #tpu.memory_space<semaphore_mem>> -> memref<!tpu.dma_semaphore, #tpu.memory_space<semaphore_mem>>
    %dma_wait3A_120 = arith.constant 0 : i32
    %dma_wait3A_121 = tpu.memref_slice %arg5[%dma_wait3A_110, %dma_wait3A_120] : memref<6x128xi32, #tpu.memory_space<vmem>> -> memref<1x128xi32, #tpu.memory_space<vmem>>
    %dma_wait3A_122 = tpu.memref_squeeze %dma_wait3A_121 : memref<1x128xi32, #tpu.memory_space<vmem>> -> memref<128xi32, #tpu.memory_space<vmem>>
    %dma_wait3A_123 = arith.constant 0 : i32
    %dma_wait3A_124 = tpu.memref_slice %arg2[%add3A, %dma_wait3A, %dma_wait3A_123] : memref<32x200x128xi32, #tpu.memory_space<hbm>> -> memref<1x1x128xi32, #tpu.memory_space<hbm>>
    %dma_wait3A_125 = tpu.memref_squeeze %dma_wait3A_124 : memref<1x1x128xi32, #tpu.memory_space<hbm>> -> memref<128xi32, #tpu.memory_space<hbm>>
    tpu.wait_dma2 semaphore(%dma_wait3A_119 : memref<!tpu.dma_semaphore, #tpu.memory_space<semaphore_mem>>) src(%dma_wait3A_125 : memref<128xi32, #tpu.memory_space<hbm>>) dst(%dma_wait3A_122 : memref<128xi32, #tpu.memory_space<vmem>>)
    %dma_start3A_126 = arith.constant 0 : i32
    %dma_start3A_127 = arith.constant 0 : i32
    %dma_start3A_128 = arith.constant 0 : i32
    %dma_start3A_129 = arith.constant 0 : i32
    %dma_start3A_130 = arith.constant 0 : i32
    %dma_start3A_131 = tpu.memref_slice %arg6[%dma_start3A_127, %dma_start3A_129, %dma_start3A_130] : memref<3x128x128xf32, #tpu.memory_space<vmem>> -> memref<1x128x128xf32, #tpu.memory_space<vmem>>
    %dma_start3A_132 = tpu.memref_squeeze %dma_start3A_131 : memref<1x128x128xf32, #tpu.memory_space<vmem>> -> memref<128x128xf32, #tpu.memory_space<vmem>>
    %dma_start3A_133 = arith.constant 0 : i32
    %dma_start3A_134 = tpu.memref_slice %arg5[%dma_start3A_126, %dma_start3A_133] : memref<6x128xi32, #tpu.memory_space<vmem>> -> memref<1x128xi32, #tpu.memory_space<vmem>>
    %dma_start3A_135 = tpu.memref_squeeze %dma_start3A_134 : memref<1x128xi32, #tpu.memory_space<vmem>> -> memref<128xi32, #tpu.memory_space<vmem>>
    %dma_start3A_136 = arith.constant 0 : i32
    %dma_start3A_137 = arith.constant 0 : i32
    %dma_start3A_138 = tpu.memref_slice %arg3[%dma_start3A_136, %dma_start3A_137] : memref<10000x128xf32, #tpu.memory_space<hbm>> -> memref<10000x128xf32, #tpu.memory_space<hbm>>
    %dma_start3A_139 = tpu.memref_slice %arg9[%dma_start3A_128] : memref<3x!tpu.dma_semaphore, #tpu.memory_space<semaphore_mem>> -> memref<1x!tpu.dma_semaphore, #tpu.memory_space<semaphore_mem>>
    %dma_start3A_140 = tpu.memref_squeeze %dma_start3A_139 : memref<1x!tpu.dma_semaphore, #tpu.memory_space<semaphore_mem>> -> memref<!tpu.dma_semaphore, #tpu.memory_space<semaphore_mem>>
    tpu.enqueue_indirect_dma source(%dma_start3A_138 : memref<10000x128xf32, #tpu.memory_space<hbm>>) target(%dma_start3A_132 : memref<128x128xf32, #tpu.memory_space<vmem>>) offsets(%dma_start3A_135 : memref<128xi32, #tpu.memory_space<vmem>>) semaphore(%dma_start3A_140 : memref<!tpu.dma_semaphore, #tpu.memory_space<semaphore_mem>>)
    %dma_wait3A_141 = arith.constant 1 : i32
    %dma_wait3A_142 = arith.constant 1 : i32
    %dma_wait3A_143 = arith.constant 1 : i32
    %dma_wait3A_144 = arith.constant 0 : i32
    %dma_wait3A_145 = tpu.memref_slice %arg5[%dma_wait3A_142, %dma_wait3A_144] : memref<6x128xi32, #tpu.memory_space<vmem>> -> memref<1x128xi32, #tpu.memory_space<vmem>>
    %dma_wait3A_146 = tpu.memref_squeeze %dma_wait3A_145 : memref<1x128xi32, #tpu.memory_space<vmem>> -> memref<128xi32, #tpu.memory_space<vmem>>
    %dma_wait3A_147 = arith.constant 0 : i32
    %dma_wait3A_148 = tpu.memref_slice %arg2[%add3A, %dma_wait3A_141, %dma_wait3A_147] : memref<32x200x128xi32, #tpu.memory_space<hbm>> -> memref<1x1x128xi32, #tpu.memory_space<hbm>>
    %dma_wait3A_149 = tpu.memref_squeeze %dma_wait3A_148 : memref<1x1x128xi32, #tpu.memory_space<hbm>> -> memref<128xi32, #tpu.memory_space<hbm>>
    %dma_wait3A_150 = tpu.memref_slice %arg8[%dma_wait3A_143] : memref<6x!tpu.dma_semaphore, #tpu.memory_space<semaphore_mem>> -> memref<1x!tpu.dma_semaphore, #tpu.memory_space<semaphore_mem>>
    %dma_wait3A_151 = tpu.memref_squeeze %dma_wait3A_150 : memref<1x!tpu.dma_semaphore, #tpu.memory_space<semaphore_mem>> -> memref<!tpu.dma_semaphore, #tpu.memory_space<semaphore_mem>>
    %dma_wait3A_152 = arith.constant 0 : i32
    %dma_wait3A_153 = tpu.memref_slice %arg5[%dma_wait3A_142, %dma_wait3A_152] : memref<6x128xi32, #tpu.memory_space<vmem>> -> memref<1x128xi32, #tpu.memory_space<vmem>>
    %dma_wait3A_154 = tpu.memref_squeeze %dma_wait3A_153 : memref<1x128xi32, #tpu.memory_space<vmem>> -> memref<128xi32, #tpu.memory_space<vmem>>
    %dma_wait3A_155 = arith.constant 0 : i32
    %dma_wait3A_156 = tpu.memref_slice %arg2[%add3A, %dma_wait3A_141, %dma_wait3A_155] : memref<32x200x128xi32, #tpu.memory_space<hbm>> -> memref<1x1x128xi32, #tpu.memory_space<hbm>>
    %dma_wait3A_157 = tpu.memref_squeeze %dma_wait3A_156 : memref<1x1x128xi32, #tpu.memory_space<hbm>> -> memref<128xi32, #tpu.memory_space<hbm>>
    tpu.wait_dma2 semaphore(%dma_wait3A_151 : memref<!tpu.dma_semaphore, #tpu.memory_space<semaphore_mem>>) src(%dma_wait3A_157 : memref<128xi32, #tpu.memory_space<hbm>>) dst(%dma_wait3A_154 : memref<128xi32, #tpu.memory_space<vmem>>)
    %dma_start3A_158 = arith.constant 1 : i32
    %dma_start3A_159 = arith.constant 1 : i32
    %dma_start3A_160 = arith.constant 1 : i32
    %dma_start3A_161 = arith.constant 0 : i32
    %dma_start3A_162 = arith.constant 0 : i32
    %dma_start3A_163 = tpu.memref_slice %arg6[%dma_start3A_159, %dma_start3A_161, %dma_start3A_162] : memref<3x128x128xf32, #tpu.memory_space<vmem>> -> memref<1x128x128xf32, #tpu.memory_space<vmem>>
    %dma_start3A_164 = tpu.memref_squeeze %dma_start3A_163 : memref<1x128x128xf32, #tpu.memory_space<vmem>> -> memref<128x128xf32, #tpu.memory_space<vmem>>
    %dma_start3A_165 = arith.constant 0 : i32
    %dma_start3A_166 = tpu.memref_slice %arg5[%dma_start3A_158, %dma_start3A_165] : memref<6x128xi32, #tpu.memory_space<vmem>> -> memref<1x128xi32, #tpu.memory_space<vmem>>
    %dma_start3A_167 = tpu.memref_squeeze %dma_start3A_166 : memref<1x128xi32, #tpu.memory_space<vmem>> -> memref<128xi32, #tpu.memory_space<vmem>>
    %dma_start3A_168 = arith.constant 0 : i32
    %dma_start3A_169 = arith.constant 0 : i32
    %dma_start3A_170 = tpu.memref_slice %arg3[%dma_start3A_168, %dma_start3A_169] : memref<10000x128xf32, #tpu.memory_space<hbm>> -> memref<10000x128xf32, #tpu.memory_space<hbm>>
    %dma_start3A_171 = tpu.memref_slice %arg9[%dma_start3A_160] : memref<3x!tpu.dma_semaphore, #tpu.memory_space<semaphore_mem>> -> memref<1x!tpu.dma_semaphore, #tpu.memory_space<semaphore_mem>>
    %dma_start3A_172 = tpu.memref_squeeze %dma_start3A_171 : memref<1x!tpu.dma_semaphore, #tpu.memory_space<semaphore_mem>> -> memref<!tpu.dma_semaphore, #tpu.memory_space<semaphore_mem>>
    tpu.enqueue_indirect_dma source(%dma_start3A_170 : memref<10000x128xf32, #tpu.memory_space<hbm>>) target(%dma_start3A_164 : memref<128x128xf32, #tpu.memory_space<vmem>>) offsets(%dma_start3A_167 : memref<128xi32, #tpu.memory_space<vmem>>) semaphore(%dma_start3A_172 : memref<!tpu.dma_semaphore, #tpu.memory_space<semaphore_mem>>)
    %dma_wait3A_173 = arith.constant 2 : i32
    %dma_wait3A_174 = arith.constant 2 : i32
    %dma_wait3A_175 = arith.constant 2 : i32
    %dma_wait3A_176 = arith.constant 0 : i32
    %dma_wait3A_177 = tpu.memref_slice %arg5[%dma_wait3A_174, %dma_wait3A_176] : memref<6x128xi32, #tpu.memory_space<vmem>> -> memref<1x128xi32, #tpu.memory_space<vmem>>
    %dma_wait3A_178 = tpu.memref_squeeze %dma_wait3A_177 : memref<1x128xi32, #tpu.memory_space<vmem>> -> memref<128xi32, #tpu.memory_space<vmem>>
    %dma_wait3A_179 = arith.constant 0 : i32
    %dma_wait3A_180 = tpu.memref_slice %arg2[%add3A, %dma_wait3A_173, %dma_wait3A_179] : memref<32x200x128xi32, #tpu.memory_space<hbm>> -> memref<1x1x128xi32, #tpu.memory_space<hbm>>
    %dma_wait3A_181 = tpu.memref_squeeze %dma_wait3A_180 : memref<1x1x128xi32, #tpu.memory_space<hbm>> -> memref<128xi32, #tpu.memory_space<hbm>>
    %dma_wait3A_182 = tpu.memref_slice %arg8[%dma_wait3A_175] : memref<6x!tpu.dma_semaphore, #tpu.memory_space<semaphore_mem>> -> memref<1x!tpu.dma_semaphore, #tpu.memory_space<semaphore_mem>>
    %dma_wait3A_183 = tpu.memref_squeeze %dma_wait3A_182 : memref<1x!tpu.dma_semaphore, #tpu.memory_space<semaphore_mem>> -> memref<!tpu.dma_semaphore, #tpu.memory_space<semaphore_mem>>
    %dma_wait3A_184 = arith.constant 0 : i32
    %dma_wait3A_185 = tpu.memref_slice %arg5[%dma_wait3A_174, %dma_wait3A_184] : memref<6x128xi32, #tpu.memory_space<vmem>> -> memref<1x128xi32, #tpu.memory_space<vmem>>
    %dma_wait3A_186 = tpu.memref_squeeze %dma_wait3A_185 : memref<1x128xi32, #tpu.memory_space<vmem>> -> memref<128xi32, #tpu.memory_space<vmem>>
    %dma_wait3A_187 = arith.constant 0 : i32
    %dma_wait3A_188 = tpu.memref_slice %arg2[%add3A, %dma_wait3A_173, %dma_wait3A_187] : memref<32x200x128xi32, #tpu.memory_space<hbm>> -> memref<1x1x128xi32, #tpu.memory_space<hbm>>
    %dma_wait3A_189 = tpu.memref_squeeze %dma_wait3A_188 : memref<1x1x128xi32, #tpu.memory_space<hbm>> -> memref<128xi32, #tpu.memory_space<hbm>>
    tpu.wait_dma2 semaphore(%dma_wait3A_183 : memref<!tpu.dma_semaphore, #tpu.memory_space<semaphore_mem>>) src(%dma_wait3A_189 : memref<128xi32, #tpu.memory_space<hbm>>) dst(%dma_wait3A_186 : memref<128xi32, #tpu.memory_space<vmem>>)
    %dma_start3A_190 = arith.constant 2 : i32
    %dma_start3A_191 = arith.constant 2 : i32
    %dma_start3A_192 = arith.constant 2 : i32
    %dma_start3A_193 = arith.constant 0 : i32
    %dma_start3A_194 = arith.constant 0 : i32
    %dma_start3A_195 = tpu.memref_slice %arg6[%dma_start3A_191, %dma_start3A_193, %dma_start3A_194] : memref<3x128x128xf32, #tpu.memory_space<vmem>> -> memref<1x128x128xf32, #tpu.memory_space<vmem>>
    %dma_start3A_196 = tpu.memref_squeeze %dma_start3A_195 : memref<1x128x128xf32, #tpu.memory_space<vmem>> -> memref<128x128xf32, #tpu.memory_space<vmem>>
    %dma_start3A_197 = arith.constant 0 : i32
    %dma_start3A_198 = tpu.memref_slice %arg5[%dma_start3A_190, %dma_start3A_197] : memref<6x128xi32, #tpu.memory_space<vmem>> -> memref<1x128xi32, #tpu.memory_space<vmem>>
    %dma_start3A_199 = tpu.memref_squeeze %dma_start3A_198 : memref<1x128xi32, #tpu.memory_space<vmem>> -> memref<128xi32, #tpu.memory_space<vmem>>
    %dma_start3A_200 = arith.constant 0 : i32
    %dma_start3A_201 = arith.constant 0 : i32
    %dma_start3A_202 = tpu.memref_slice %arg3[%dma_start3A_200, %dma_start3A_201] : memref<10000x128xf32, #tpu.memory_space<hbm>> -> memref<10000x128xf32, #tpu.memory_space<hbm>>
    %dma_start3A_203 = tpu.memref_slice %arg9[%dma_start3A_192] : memref<3x!tpu.dma_semaphore, #tpu.memory_space<semaphore_mem>> -> memref<1x!tpu.dma_semaphore, #tpu.memory_space<semaphore_mem>>
    %dma_start3A_204 = tpu.memref_squeeze %dma_start3A_203 : memref<1x!tpu.dma_semaphore, #tpu.memory_space<semaphore_mem>> -> memref<!tpu.dma_semaphore, #tpu.memory_space<semaphore_mem>>
    tpu.enqueue_indirect_dma source(%dma_start3A_202 : memref<10000x128xf32, #tpu.memory_space<hbm>>) target(%dma_start3A_196 : memref<128x128xf32, #tpu.memory_space<vmem>>) offsets(%dma_start3A_199 : memref<128xi32, #tpu.memory_space<vmem>>) semaphore(%dma_start3A_204 : memref<!tpu.dma_semaphore, #tpu.memory_space<semaphore_mem>>)
    %lt3A_205 = arith.constant 15 : i32
    %lt3A_206 = arith.cmpi slt, %arg1, %lt3A_205 : i32
    %convert_element_type3A_207 = arith.extui %lt3A_206 : i1 to i32
    %cond3A_208 = arith.constant 0 : i32
    %cond3A_209 = arith.cmpi ne, %convert_element_type3A_207, %cond3A_208 : i32
    scf.if %cond3A_209 {
      %mul3A_339 = arith.constant 624 : i32
      %mul3A_340 = arith.muli %arg1, %mul3A_339 : i32
      %mul3A_341 = arith.constant 624 : i32
      %mul3A_342 = arith.muli %arg1, %mul3A_341 : i32
      %dma_wait3A_343 = arith.constant 0 : i32
      %dma_wait3A_344 = tpu.memref_slice %arg7[%mul3A_342, %dma_wait3A_343] : memref<10000x128xf32, #tpu.memory_space<vmem_shared>> -> memref<624x128xf32, #tpu.memory_space<vmem_shared>>
      %dma_wait3A_345 = arith.constant 0 : i32
      %dma_wait3A_346 = tpu.memref_slice %arg3[%mul3A_340, %dma_wait3A_345] : memref<10000x128xf32, #tpu.memory_space<hbm>> -> memref<624x128xf32, #tpu.memory_space<hbm>>
      tpu.wait_dma2 semaphore(%arg11 : memref<!tpu.dma_semaphore, #tpu.memory_space<semaphore_mem>>) src(%dma_wait3A_346 : memref<624x128xf32, #tpu.memory_space<hbm>>) dst(%dma_wait3A_344 : memref<624x128xf32, #tpu.memory_space<vmem_shared>>)
    } else {
    }
    %eq3A_210 = arith.constant 15 : i32
    %eq3A_211 = arith.cmpi eq, %arg1, %eq3A_210 : i32
    %convert_element_type3A_212 = arith.extui %eq3A_211 : i1 to i32
    %cond3A_213 = arith.constant 0 : i32
    %cond3A_214 = arith.cmpi ne, %convert_element_type3A_212, %cond3A_213 : i32
    scf.if %cond3A_214 {
      %dma_wait3A_339 = arith.constant 9360 : i32
      %dma_wait3A_340 = arith.constant 0 : i32
      %dma_wait3A_341 = tpu.memref_slice %arg7[%dma_wait3A_339, %dma_wait3A_340] : memref<10000x128xf32, #tpu.memory_space<vmem_shared>> -> memref<640x128xf32, #tpu.memory_space<vmem_shared>>
      %dma_wait3A_342 = arith.constant 9360 : i32
      %dma_wait3A_343 = arith.constant 0 : i32
      %dma_wait3A_344 = tpu.memref_slice %arg3[%dma_wait3A_342, %dma_wait3A_343] : memref<10000x128xf32, #tpu.memory_space<hbm>> -> memref<640x128xf32, #tpu.memory_space<hbm>>
      tpu.wait_dma2 semaphore(%arg11 : memref<!tpu.dma_semaphore, #tpu.memory_space<semaphore_mem>>) src(%dma_wait3A_344 : memref<640x128xf32, #tpu.memory_space<hbm>>) dst(%dma_wait3A_341 : memref<640x128xf32, #tpu.memory_space<vmem_shared>>)
    } else {
    }
    %barrier3A = arith.constant 0 : index
    tpu.barrier barrier_id(%barrier3A)
    %scan3A = arith.constant 0 : i32
    %scan3A_215 = arith.constant 33 : i32
    %scan3A_216 = arith.addi %scan3A, %scan3A_215 : i32
    %scan3A_217 = arith.constant 1 : i32
    scf.for %scan3A_339 = %scan3A to %scan3A_216 step %scan3A_217  : i32 {
      %mul3A_340 = arith.constant 1 : i32
      %mul3A_341 = arith.muli %scan3A_339, %mul3A_340 : i32
      %add3A_342 = arith.constant 0 : i32
      %add3A_343 = arith.addi %add3A_342, %mul3A_341 : i32
      %mul3A_344 = arith.constant 6 : i32
      %mul3A_345 = arith.muli %add3A_343, %mul3A_344 : i32
      %add3A_346 = arith.constant 0 : i32
      %add3A_347 = arith.addi %mul3A_345, %add3A_346 : i32
      %dma_wait3A_348 = arith.constant 0 : i32
      %dma_wait3A_349 = arith.constant 0 : i32
      %dma_wait3A_350 = arith.constant 0 : i32
      %dma_wait3A_351 = arith.constant 0 : i32
      %dma_wait3A_352 = arith.constant 0 : i32
      %dma_wait3A_353 = tpu.memref_slice %arg6[%dma_wait3A_349, %dma_wait3A_351, %dma_wait3A_352] : memref<3x128x128xf32, #tpu.memory_space<vmem>> -> memref<1x128x128xf32, #tpu.memory_space<vmem>>
      %dma_wait3A_354 = tpu.memref_squeeze %dma_wait3A_353 : memref<1x128x128xf32, #tpu.memory_space<vmem>> -> memref<128x128xf32, #tpu.memory_space<vmem>>
      %dma_wait3A_355 = arith.constant 0 : i32
      %dma_wait3A_356 = tpu.memref_slice %arg5[%dma_wait3A_348, %dma_wait3A_355] : memref<6x128xi32, #tpu.memory_space<vmem>> -> memref<1x128xi32, #tpu.memory_space<vmem>>
      %dma_wait3A_357 = tpu.memref_squeeze %dma_wait3A_356 : memref<1x128xi32, #tpu.memory_space<vmem>> -> memref<128xi32, #tpu.memory_space<vmem>>
      %dma_wait3A_358 = arith.constant 0 : i32
      %dma_wait3A_359 = arith.constant 0 : i32
      %dma_wait3A_360 = tpu.memref_slice %arg7[%dma_wait3A_358, %dma_wait3A_359] : memref<10000x128xf32, #tpu.memory_space<vmem_shared>> -> memref<10000x128xf32, #tpu.memory_space<vmem_shared>>
      %dma_wait3A_361 = tpu.memref_slice %arg9[%dma_wait3A_350] : memref<3x!tpu.dma_semaphore, #tpu.memory_space<semaphore_mem>> -> memref<1x!tpu.dma_semaphore, #tpu.memory_space<semaphore_mem>>
      %dma_wait3A_362 = tpu.memref_squeeze %dma_wait3A_361 : memref<1x!tpu.dma_semaphore, #tpu.memory_space<semaphore_mem>> -> memref<!tpu.dma_semaphore, #tpu.memory_space<semaphore_mem>>
      tpu.wait_indirect_dma semaphore(%dma_wait3A_362 : memref<!tpu.dma_semaphore, #tpu.memory_space<semaphore_mem>>) src(%dma_wait3A_360 : memref<10000x128xf32, #tpu.memory_space<vmem_shared>>) dst(%dma_wait3A_354 : memref<128x128xf32, #tpu.memory_space<vmem>>)
      %mul3A_363 = arith.constant 128 : i32
      %mul3A_364 = arith.muli %add3A_347, %mul3A_363 : i32
      %add3A_365 = arith.addi %mul3A_2, %mul3A_364 : i32
      %dma_start3A_366 = arith.constant 0 : i32
      %dma_start3A_367 = arith.constant 0 : i32
      %dma_start3A_368 = arith.constant 0 : i32
      %dma_start3A_369 = arith.constant 0 : i32
      %dma_start3A_370 = tpu.memref_slice %arg6[%dma_start3A_366, %dma_start3A_368, %dma_start3A_369] : memref<3x128x128xf32, #tpu.memory_space<vmem>> -> memref<1x128x128xf32, #tpu.memory_space<vmem>>
      %dma_start3A_371 = tpu.memref_squeeze %dma_start3A_370 : memref<1x128x128xf32, #tpu.memory_space<vmem>> -> memref<128x128xf32, #tpu.memory_space<vmem>>
      %dma_start3A_372 = arith.constant 0 : i32
      %dma_start3A_373 = tpu.memref_slice %arg4[%add3A_365, %dma_start3A_372] : memref<819200x128xf32, #tpu.memory_space<hbm>> -> memref<128x128xf32, #tpu.memory_space<hbm>>
      %dma_start3A_374 = tpu.memref_slice %arg10[%dma_start3A_367] : memref<3x!tpu.dma_semaphore, #tpu.memory_space<semaphore_mem>> -> memref<1x!tpu.dma_semaphore, #tpu.memory_space<semaphore_mem>>
      %dma_start3A_375 = tpu.memref_squeeze %dma_start3A_374 : memref<1x!tpu.dma_semaphore, #tpu.memory_space<semaphore_mem>> -> memref<!tpu.dma_semaphore, #tpu.memory_space<semaphore_mem>>
      %dma_start3A_376 = arith.constant 0 : i32
      %dma_start3A_377 = tpu.memref_slice %arg4[%add3A_365, %dma_start3A_376] : memref<819200x128xf32, #tpu.memory_space<hbm>> -> memref<128x128xf32, #tpu.memory_space<hbm>>
      %dma_start3A_378 = arith.constant 0 : i32
      %dma_start3A_379 = arith.constant 0 : i32
      %dma_start3A_380 = tpu.memref_slice %arg6[%dma_start3A_366, %dma_start3A_378, %dma_start3A_379] : memref<3x128x128xf32, #tpu.memory_space<vmem>> -> memref<1x128x128xf32, #tpu.memory_space<vmem>>
      %dma_start3A_381 = tpu.memref_squeeze %dma_start3A_380 : memref<1x128x128xf32, #tpu.memory_space<vmem>> -> memref<128x128xf32, #tpu.memory_space<vmem>>
      tpu.enqueue_dma source(%dma_start3A_381 : memref<128x128xf32, #tpu.memory_space<vmem>>) target(%dma_start3A_377 : memref<128x128xf32, #tpu.memory_space<hbm>>) target_semaphore(%dma_start3A_375 : memref<!tpu.dma_semaphore, #tpu.memory_space<semaphore_mem>>)
      %add3A_382 = arith.constant 6 : i32
      %add3A_383 = arith.addi %add3A_347, %add3A_382 : i32
      %lt3A_384 = arith.constant 200 : i32
      %lt3A_385 = arith.cmpi slt, %add3A_383, %lt3A_384 : i32
      %convert_element_type3A_386 = arith.extui %lt3A_385 : i1 to i32
      %cond3A_387 = arith.constant 0 : i32
      %cond3A_388 = arith.cmpi ne, %convert_element_type3A_386, %cond3A_387 : i32
      scf.if %cond3A_388 {
        %add3A_656 = arith.constant 6 : i32
        %add3A_657 = arith.addi %add3A_347, %add3A_656 : i32
        %dma_start3A_658 = arith.constant 0 : i32
        %dma_start3A_659 = arith.constant 0 : i32
        %dma_start3A_660 = arith.constant 0 : i32
        %dma_start3A_661 = tpu.memref_slice %arg5[%dma_start3A_658, %dma_start3A_660] : memref<6x128xi32, #tpu.memory_space<vmem>> -> memref<1x128xi32, #tpu.memory_space<vmem>>
        %dma_start3A_662 = tpu.memref_squeeze %dma_start3A_661 : memref<1x128xi32, #tpu.memory_space<vmem>> -> memref<128xi32, #tpu.memory_space<vmem>>
        %dma_start3A_663 = arith.constant 0 : i32
        %dma_start3A_664 = tpu.memref_slice %arg2[%add3A, %add3A_657, %dma_start3A_663] : memref<32x200x128xi32, #tpu.memory_space<hbm>> -> memref<1x1x128xi32, #tpu.memory_space<hbm>>
        %dma_start3A_665 = tpu.memref_squeeze %dma_start3A_664 : memref<1x1x128xi32, #tpu.memory_space<hbm>> -> memref<128xi32, #tpu.memory_space<hbm>>
        %dma_start3A_666 = tpu.memref_slice %arg8[%dma_start3A_659] : memref<6x!tpu.dma_semaphore, #tpu.memory_space<semaphore_mem>> -> memref<1x!tpu.dma_semaphore, #tpu.memory_space<semaphore_mem>>
        %dma_start3A_667 = tpu.memref_squeeze %dma_start3A_666 : memref<1x!tpu.dma_semaphore, #tpu.memory_space<semaphore_mem>> -> memref<!tpu.dma_semaphore, #tpu.memory_space<semaphore_mem>>
        %dma_start3A_668 = arith.constant 0 : i32
        %dma_start3A_669 = tpu.memref_slice %arg5[%dma_start3A_658, %dma_start3A_668] : memref<6x128xi32, #tpu.memory_space<vmem>> -> memref<1x128xi32, #tpu.memory_space<vmem>>
        %dma_start3A_670 = tpu.memref_squeeze %dma_start3A_669 : memref<1x128xi32, #tpu.memory_space<vmem>> -> memref<128xi32, #tpu.memory_space<vmem>>
        %dma_start3A_671 = arith.constant 0 : i32
        %dma_start3A_672 = tpu.memref_slice %arg2[%add3A, %add3A_657, %dma_start3A_671] : memref<32x200x128xi32, #tpu.memory_space<hbm>> -> memref<1x1x128xi32, #tpu.memory_space<hbm>>
        %dma_start3A_673 = tpu.memref_squeeze %dma_start3A_672 : memref<1x1x128xi32, #tpu.memory_space<hbm>> -> memref<128xi32, #tpu.memory_space<hbm>>
        tpu.enqueue_dma source(%dma_start3A_673 : memref<128xi32, #tpu.memory_space<hbm>>) target(%dma_start3A_670 : memref<128xi32, #tpu.memory_space<vmem>>) target_semaphore(%dma_start3A_667 : memref<!tpu.dma_semaphore, #tpu.memory_space<semaphore_mem>>)
      } else {
      }
      %add3A_389 = arith.constant 3 : i32
      %add3A_390 = arith.addi %add3A_347, %add3A_389 : i32
      %lt3A_391 = arith.constant 200 : i32
      %lt3A_392 = arith.cmpi slt, %add3A_390, %lt3A_391 : i32
      %convert_element_type3A_393 = arith.extui %lt3A_392 : i1 to i32
      %cond3A_394 = arith.constant 0 : i32
      %cond3A_395 = arith.cmpi ne, %convert_element_type3A_393, %cond3A_394 : i32
      scf.if %cond3A_395 {
        %mul3A_656 = arith.constant 128 : i32
        %mul3A_657 = arith.muli %add3A_347, %mul3A_656 : i32
        %add3A_658 = arith.addi %mul3A_2, %mul3A_657 : i32
        %dma_wait3A_659 = arith.constant 0 : i32
        %dma_wait3A_660 = arith.constant 0 : i32
        %dma_wait3A_661 = arith.constant 0 : i32
        %dma_wait3A_662 = arith.constant 0 : i32
        %dma_wait3A_663 = tpu.memref_slice %arg6[%dma_wait3A_659, %dma_wait3A_661, %dma_wait3A_662] : memref<3x128x128xf32, #tpu.memory_space<vmem>> -> memref<1x128x128xf32, #tpu.memory_space<vmem>>
        %dma_wait3A_664 = tpu.memref_squeeze %dma_wait3A_663 : memref<1x128x128xf32, #tpu.memory_space<vmem>> -> memref<128x128xf32, #tpu.memory_space<vmem>>
        %dma_wait3A_665 = arith.constant 0 : i32
        %dma_wait3A_666 = tpu.memref_slice %arg4[%add3A_658, %dma_wait3A_665] : memref<819200x128xf32, #tpu.memory_space<hbm>> -> memref<128x128xf32, #tpu.memory_space<hbm>>
        %dma_wait3A_667 = tpu.memref_slice %arg10[%dma_wait3A_660] : memref<3x!tpu.dma_semaphore, #tpu.memory_space<semaphore_mem>> -> memref<1x!tpu.dma_semaphore, #tpu.memory_space<semaphore_mem>>
        %dma_wait3A_668 = tpu.memref_squeeze %dma_wait3A_667 : memref<1x!tpu.dma_semaphore, #tpu.memory_space<semaphore_mem>> -> memref<!tpu.dma_semaphore, #tpu.memory_space<semaphore_mem>>
        %dma_wait3A_669 = arith.constant 0 : i32
        %dma_wait3A_670 = tpu.memref_slice %arg4[%add3A_658, %dma_wait3A_669] : memref<819200x128xf32, #tpu.memory_space<hbm>> -> memref<128x128xf32, #tpu.memory_space<hbm>>
        %dma_wait3A_671 = arith.constant 0 : i32
        %dma_wait3A_672 = arith.constant 0 : i32
        %dma_wait3A_673 = tpu.memref_slice %arg6[%dma_wait3A_659, %dma_wait3A_671, %dma_wait3A_672] : memref<3x128x128xf32, #tpu.memory_space<vmem>> -> memref<1x128x128xf32, #tpu.memory_space<vmem>>
        %dma_wait3A_674 = tpu.memref_squeeze %dma_wait3A_673 : memref<1x128x128xf32, #tpu.memory_space<vmem>> -> memref<128x128xf32, #tpu.memory_space<vmem>>
        tpu.wait_dma2 semaphore(%dma_wait3A_668 : memref<!tpu.dma_semaphore, #tpu.memory_space<semaphore_mem>>) src(%dma_wait3A_674 : memref<128x128xf32, #tpu.memory_space<vmem>>) dst(%dma_wait3A_670 : memref<128x128xf32, #tpu.memory_space<hbm>>)
        %add3A_675 = arith.constant 3 : i32
        %add3A_676 = arith.addi %add3A_347, %add3A_675 : i32
        %dma_wait3A_677 = arith.constant 3 : i32
        %dma_wait3A_678 = arith.constant 3 : i32
        %dma_wait3A_679 = arith.constant 0 : i32
        %dma_wait3A_680 = tpu.memref_slice %arg5[%dma_wait3A_677, %dma_wait3A_679] : memref<6x128xi32, #tpu.memory_space<vmem>> -> memref<1x128xi32, #tpu.memory_space<vmem>>
        %dma_wait3A_681 = tpu.memref_squeeze %dma_wait3A_680 : memref<1x128xi32, #tpu.memory_space<vmem>> -> memref<128xi32, #tpu.memory_space<vmem>>
        %dma_wait3A_682 = arith.constant 0 : i32
        %dma_wait3A_683 = tpu.memref_slice %arg2[%add3A, %add3A_676, %dma_wait3A_682] : memref<32x200x128xi32, #tpu.memory_space<hbm>> -> memref<1x1x128xi32, #tpu.memory_space<hbm>>
        %dma_wait3A_684 = tpu.memref_squeeze %dma_wait3A_683 : memref<1x1x128xi32, #tpu.memory_space<hbm>> -> memref<128xi32, #tpu.memory_space<hbm>>
        %dma_wait3A_685 = tpu.memref_slice %arg8[%dma_wait3A_678] : memref<6x!tpu.dma_semaphore, #tpu.memory_space<semaphore_mem>> -> memref<1x!tpu.dma_semaphore, #tpu.memory_space<semaphore_mem>>
        %dma_wait3A_686 = tpu.memref_squeeze %dma_wait3A_685 : memref<1x!tpu.dma_semaphore, #tpu.memory_space<semaphore_mem>> -> memref<!tpu.dma_semaphore, #tpu.memory_space<semaphore_mem>>
        %dma_wait3A_687 = arith.constant 0 : i32
        %dma_wait3A_688 = tpu.memref_slice %arg5[%dma_wait3A_677, %dma_wait3A_687] : memref<6x128xi32, #tpu.memory_space<vmem>> -> memref<1x128xi32, #tpu.memory_space<vmem>>
        %dma_wait3A_689 = tpu.memref_squeeze %dma_wait3A_688 : memref<1x128xi32, #tpu.memory_space<vmem>> -> memref<128xi32, #tpu.memory_space<vmem>>
        %dma_wait3A_690 = arith.constant 0 : i32
        %dma_wait3A_691 = tpu.memref_slice %arg2[%add3A, %add3A_676, %dma_wait3A_690] : memref<32x200x128xi32, #tpu.memory_space<hbm>> -> memref<1x1x128xi32, #tpu.memory_space<hbm>>
        %dma_wait3A_692 = tpu.memref_squeeze %dma_wait3A_691 : memref<1x1x128xi32, #tpu.memory_space<hbm>> -> memref<128xi32, #tpu.memory_space<hbm>>
        tpu.wait_dma2 semaphore(%dma_wait3A_686 : memref<!tpu.dma_semaphore, #tpu.memory_space<semaphore_mem>>) src(%dma_wait3A_692 : memref<128xi32, #tpu.memory_space<hbm>>) dst(%dma_wait3A_689 : memref<128xi32, #tpu.memory_space<vmem>>)
        %dma_start3A_693 = arith.constant 3 : i32
        %dma_start3A_694 = arith.constant 0 : i32
        %dma_start3A_695 = arith.constant 0 : i32
        %dma_start3A_696 = arith.constant 0 : i32
        %dma_start3A_697 = arith.constant 0 : i32
        %dma_start3A_698 = tpu.memref_slice %arg6[%dma_start3A_694, %dma_start3A_696, %dma_start3A_697] : memref<3x128x128xf32, #tpu.memory_space<vmem>> -> memref<1x128x128xf32, #tpu.memory_space<vmem>>
        %dma_start3A_699 = tpu.memref_squeeze %dma_start3A_698 : memref<1x128x128xf32, #tpu.memory_space<vmem>> -> memref<128x128xf32, #tpu.memory_space<vmem>>
        %dma_start3A_700 = arith.constant 0 : i32
        %dma_start3A_701 = tpu.memref_slice %arg5[%dma_start3A_693, %dma_start3A_700] : memref<6x128xi32, #tpu.memory_space<vmem>> -> memref<1x128xi32, #tpu.memory_space<vmem>>
        %dma_start3A_702 = tpu.memref_squeeze %dma_start3A_701 : memref<1x128xi32, #tpu.memory_space<vmem>> -> memref<128xi32, #tpu.memory_space<vmem>>
        %dma_start3A_703 = arith.constant 0 : i32
        %dma_start3A_704 = arith.constant 0 : i32
        %dma_start3A_705 = tpu.memref_slice %arg7[%dma_start3A_703, %dma_start3A_704] : memref<10000x128xf32, #tpu.memory_space<vmem_shared>> -> memref<10000x128xf32, #tpu.memory_space<vmem_shared>>
        %dma_start3A_706 = tpu.memref_slice %arg9[%dma_start3A_695] : memref<3x!tpu.dma_semaphore, #tpu.memory_space<semaphore_mem>> -> memref<1x!tpu.dma_semaphore, #tpu.memory_space<semaphore_mem>>
        %dma_start3A_707 = tpu.memref_squeeze %dma_start3A_706 : memref<1x!tpu.dma_semaphore, #tpu.memory_space<semaphore_mem>> -> memref<!tpu.dma_semaphore, #tpu.memory_space<semaphore_mem>>
        tpu.enqueue_indirect_dma source(%dma_start3A_705 : memref<10000x128xf32, #tpu.memory_space<vmem_shared>>) target(%dma_start3A_699 : memref<128x128xf32, #tpu.memory_space<vmem>>) offsets(%dma_start3A_702 : memref<128xi32, #tpu.memory_space<vmem>>) semaphore(%dma_start3A_707 : memref<!tpu.dma_semaphore, #tpu.memory_space<semaphore_mem>>)
      } else {
      }
      %mul3A_396 = arith.constant 6 : i32
      %mul3A_397 = arith.muli %add3A_343, %mul3A_396 : i32
      %add3A_398 = arith.constant 1 : i32
      %add3A_399 = arith.addi %mul3A_397, %add3A_398 : i32
      %dma_wait3A_400 = arith.constant 1 : i32
      %dma_wait3A_401 = arith.constant 1 : i32
      %dma_wait3A_402 = arith.constant 1 : i32
      %dma_wait3A_403 = arith.constant 0 : i32
      %dma_wait3A_404 = arith.constant 0 : i32
      %dma_wait3A_405 = tpu.memref_slice %arg6[%dma_wait3A_401, %dma_wait3A_403, %dma_wait3A_404] : memref<3x128x128xf32, #tpu.memory_space<vmem>> -> memref<1x128x128xf32, #tpu.memory_space<vmem>>
      %dma_wait3A_406 = tpu.memref_squeeze %dma_wait3A_405 : memref<1x128x128xf32, #tpu.memory_space<vmem>> -> memref<128x128xf32, #tpu.memory_space<vmem>>
      %dma_wait3A_407 = arith.constant 0 : i32
      %dma_wait3A_408 = tpu.memref_slice %arg5[%dma_wait3A_400, %dma_wait3A_407] : memref<6x128xi32, #tpu.memory_space<vmem>> -> memref<1x128xi32, #tpu.memory_space<vmem>>
      %dma_wait3A_409 = tpu.memref_squeeze %dma_wait3A_408 : memref<1x128xi32, #tpu.memory_space<vmem>> -> memref<128xi32, #tpu.memory_space<vmem>>
      %dma_wait3A_410 = arith.constant 0 : i32
      %dma_wait3A_411 = arith.constant 0 : i32
      %dma_wait3A_412 = tpu.memref_slice %arg7[%dma_wait3A_410, %dma_wait3A_411] : memref<10000x128xf32, #tpu.memory_space<vmem_shared>> -> memref<10000x128xf32, #tpu.memory_space<vmem_shared>>
      %dma_wait3A_413 = tpu.memref_slice %arg9[%dma_wait3A_402] : memref<3x!tpu.dma_semaphore, #tpu.memory_space<semaphore_mem>> -> memref<1x!tpu.dma_semaphore, #tpu.memory_space<semaphore_mem>>
      %dma_wait3A_414 = tpu.memref_squeeze %dma_wait3A_413 : memref<1x!tpu.dma_semaphore, #tpu.memory_space<semaphore_mem>> -> memref<!tpu.dma_semaphore, #tpu.memory_space<semaphore_mem>>
      tpu.wait_indirect_dma semaphore(%dma_wait3A_414 : memref<!tpu.dma_semaphore, #tpu.memory_space<semaphore_mem>>) src(%dma_wait3A_412 : memref<10000x128xf32, #tpu.memory_space<vmem_shared>>) dst(%dma_wait3A_406 : memref<128x128xf32, #tpu.memory_space<vmem>>)
      %mul3A_415 = arith.constant 128 : i32
      %mul3A_416 = arith.muli %add3A_399, %mul3A_415 : i32
      %add3A_417 = arith.addi %mul3A_2, %mul3A_416 : i32
      %dma_start3A_418 = arith.constant 1 : i32
      %dma_start3A_419 = arith.constant 1 : i32
      %dma_start3A_420 = arith.constant 0 : i32
      %dma_start3A_421 = arith.constant 0 : i32
      %dma_start3A_422 = tpu.memref_slice %arg6[%dma_start3A_418, %dma_start3A_420, %dma_start3A_421] : memref<3x128x128xf32, #tpu.memory_space<vmem>> -> memref<1x128x128xf32, #tpu.memory_space<vmem>>
      %dma_start3A_423 = tpu.memref_squeeze %dma_start3A_422 : memref<1x128x128xf32, #tpu.memory_space<vmem>> -> memref<128x128xf32, #tpu.memory_space<vmem>>
      %dma_start3A_424 = arith.constant 0 : i32
      %dma_start3A_425 = tpu.memref_slice %arg4[%add3A_417, %dma_start3A_424] : memref<819200x128xf32, #tpu.memory_space<hbm>> -> memref<128x128xf32, #tpu.memory_space<hbm>>
      %dma_start3A_426 = tpu.memref_slice %arg10[%dma_start3A_419] : memref<3x!tpu.dma_semaphore, #tpu.memory_space<semaphore_mem>> -> memref<1x!tpu.dma_semaphore, #tpu.memory_space<semaphore_mem>>
      %dma_start3A_427 = tpu.memref_squeeze %dma_start3A_426 : memref<1x!tpu.dma_semaphore, #tpu.memory_space<semaphore_mem>> -> memref<!tpu.dma_semaphore, #tpu.memory_space<semaphore_mem>>
      %dma_start3A_428 = arith.constant 0 : i32
      %dma_start3A_429 = tpu.memref_slice %arg4[%add3A_417, %dma_start3A_428] : memref<819200x128xf32, #tpu.memory_space<hbm>> -> memref<128x128xf32, #tpu.memory_space<hbm>>
      %dma_start3A_430 = arith.constant 0 : i32
      %dma_start3A_431 = arith.constant 0 : i32
      %dma_start3A_432 = tpu.memref_slice %arg6[%dma_start3A_418, %dma_start3A_430, %dma_start3A_431] : memref<3x128x128xf32, #tpu.memory_space<vmem>> -> memref<1x128x128xf32, #tpu.memory_space<vmem>>
      %dma_start3A_433 = tpu.memref_squeeze %dma_start3A_432 : memref<1x128x128xf32, #tpu.memory_space<vmem>> -> memref<128x128xf32, #tpu.memory_space<vmem>>
      tpu.enqueue_dma source(%dma_start3A_433 : memref<128x128xf32, #tpu.memory_space<vmem>>) target(%dma_start3A_429 : memref<128x128xf32, #tpu.memory_space<hbm>>) target_semaphore(%dma_start3A_427 : memref<!tpu.dma_semaphore, #tpu.memory_space<semaphore_mem>>)
      %add3A_434 = arith.constant 6 : i32
      %add3A_435 = arith.addi %add3A_399, %add3A_434 : i32
      %lt3A_436 = arith.constant 200 : i32
      %lt3A_437 = arith.cmpi slt, %add3A_435, %lt3A_436 : i32
      %convert_element_type3A_438 = arith.extui %lt3A_437 : i1 to i32
      %cond3A_439 = arith.constant 0 : i32
      %cond3A_440 = arith.cmpi ne, %convert_element_type3A_438, %cond3A_439 : i32
      scf.if %cond3A_440 {
        %add3A_656 = arith.constant 6 : i32
        %add3A_657 = arith.addi %add3A_399, %add3A_656 : i32
        %dma_start3A_658 = arith.constant 1 : i32
        %dma_start3A_659 = arith.constant 1 : i32
        %dma_start3A_660 = arith.constant 0 : i32
        %dma_start3A_661 = tpu.memref_slice %arg5[%dma_start3A_658, %dma_start3A_660] : memref<6x128xi32, #tpu.memory_space<vmem>> -> memref<1x128xi32, #tpu.memory_space<vmem>>
        %dma_start3A_662 = tpu.memref_squeeze %dma_start3A_661 : memref<1x128xi32, #tpu.memory_space<vmem>> -> memref<128xi32, #tpu.memory_space<vmem>>
        %dma_start3A_663 = arith.constant 0 : i32
        %dma_start3A_664 = tpu.memref_slice %arg2[%add3A, %add3A_657, %dma_start3A_663] : memref<32x200x128xi32, #tpu.memory_space<hbm>> -> memref<1x1x128xi32, #tpu.memory_space<hbm>>
        %dma_start3A_665 = tpu.memref_squeeze %dma_start3A_664 : memref<1x1x128xi32, #tpu.memory_space<hbm>> -> memref<128xi32, #tpu.memory_space<hbm>>
        %dma_start3A_666 = tpu.memref_slice %arg8[%dma_start3A_659] : memref<6x!tpu.dma_semaphore, #tpu.memory_space<semaphore_mem>> -> memref<1x!tpu.dma_semaphore, #tpu.memory_space<semaphore_mem>>
        %dma_start3A_667 = tpu.memref_squeeze %dma_start3A_666 : memref<1x!tpu.dma_semaphore, #tpu.memory_space<semaphore_mem>> -> memref<!tpu.dma_semaphore, #tpu.memory_space<semaphore_mem>>
        %dma_start3A_668 = arith.constant 0 : i32
        %dma_start3A_669 = tpu.memref_slice %arg5[%dma_start3A_658, %dma_start3A_668] : memref<6x128xi32, #tpu.memory_space<vmem>> -> memref<1x128xi32, #tpu.memory_space<vmem>>
        %dma_start3A_670 = tpu.memref_squeeze %dma_start3A_669 : memref<1x128xi32, #tpu.memory_space<vmem>> -> memref<128xi32, #tpu.memory_space<vmem>>
        %dma_start3A_671 = arith.constant 0 : i32
        %dma_start3A_672 = tpu.memref_slice %arg2[%add3A, %add3A_657, %dma_start3A_671] : memref<32x200x128xi32, #tpu.memory_space<hbm>> -> memref<1x1x128xi32, #tpu.memory_space<hbm>>
        %dma_start3A_673 = tpu.memref_squeeze %dma_start3A_672 : memref<1x1x128xi32, #tpu.memory_space<hbm>> -> memref<128xi32, #tpu.memory_space<hbm>>
        tpu.enqueue_dma source(%dma_start3A_673 : memref<128xi32, #tpu.memory_space<hbm>>) target(%dma_start3A_670 : memref<128xi32, #tpu.memory_space<vmem>>) target_semaphore(%dma_start3A_667 : memref<!tpu.dma_semaphore, #tpu.memory_space<semaphore_mem>>)
      } else {
      }
      %add3A_441 = arith.constant 3 : i32
      %add3A_442 = arith.addi %add3A_399, %add3A_441 : i32
      %lt3A_443 = arith.constant 200 : i32
      %lt3A_444 = arith.cmpi slt, %add3A_442, %lt3A_443 : i32
      %convert_element_type3A_445 = arith.extui %lt3A_444 : i1 to i32
      %cond3A_446 = arith.constant 0 : i32
      %cond3A_447 = arith.cmpi ne, %convert_element_type3A_445, %cond3A_446 : i32
      scf.if %cond3A_447 {
        %mul3A_656 = arith.constant 128 : i32
        %mul3A_657 = arith.muli %add3A_399, %mul3A_656 : i32
        %add3A_658 = arith.addi %mul3A_2, %mul3A_657 : i32
        %dma_wait3A_659 = arith.constant 1 : i32
        %dma_wait3A_660 = arith.constant 1 : i32
        %dma_wait3A_661 = arith.constant 0 : i32
        %dma_wait3A_662 = arith.constant 0 : i32
        %dma_wait3A_663 = tpu.memref_slice %arg6[%dma_wait3A_659, %dma_wait3A_661, %dma_wait3A_662] : memref<3x128x128xf32, #tpu.memory_space<vmem>> -> memref<1x128x128xf32, #tpu.memory_space<vmem>>
        %dma_wait3A_664 = tpu.memref_squeeze %dma_wait3A_663 : memref<1x128x128xf32, #tpu.memory_space<vmem>> -> memref<128x128xf32, #tpu.memory_space<vmem>>
        %dma_wait3A_665 = arith.constant 0 : i32
        %dma_wait3A_666 = tpu.memref_slice %arg4[%add3A_658, %dma_wait3A_665] : memref<819200x128xf32, #tpu.memory_space<hbm>> -> memref<128x128xf32, #tpu.memory_space<hbm>>
        %dma_wait3A_667 = tpu.memref_slice %arg10[%dma_wait3A_660] : memref<3x!tpu.dma_semaphore, #tpu.memory_space<semaphore_mem>> -> memref<1x!tpu.dma_semaphore, #tpu.memory_space<semaphore_mem>>
        %dma_wait3A_668 = tpu.memref_squeeze %dma_wait3A_667 : memref<1x!tpu.dma_semaphore, #tpu.memory_space<semaphore_mem>> -> memref<!tpu.dma_semaphore, #tpu.memory_space<semaphore_mem>>
        %dma_wait3A_669 = arith.constant 0 : i32
        %dma_wait3A_670 = tpu.memref_slice %arg4[%add3A_658, %dma_wait3A_669] : memref<819200x128xf32, #tpu.memory_space<hbm>> -> memref<128x128xf32, #tpu.memory_space<hbm>>
        %dma_wait3A_671 = arith.constant 0 : i32
        %dma_wait3A_672 = arith.constant 0 : i32
        %dma_wait3A_673 = tpu.memref_slice %arg6[%dma_wait3A_659, %dma_wait3A_671, %dma_wait3A_672] : memref<3x128x128xf32, #tpu.memory_space<vmem>> -> memref<1x128x128xf32, #tpu.memory_space<vmem>>
        %dma_wait3A_674 = tpu.memref_squeeze %dma_wait3A_673 : memref<1x128x128xf32, #tpu.memory_space<vmem>> -> memref<128x128xf32, #tpu.memory_space<vmem>>
        tpu.wait_dma2 semaphore(%dma_wait3A_668 : memref<!tpu.dma_semaphore, #tpu.memory_space<semaphore_mem>>) src(%dma_wait3A_674 : memref<128x128xf32, #tpu.memory_space<vmem>>) dst(%dma_wait3A_670 : memref<128x128xf32, #tpu.memory_space<hbm>>)
        %add3A_675 = arith.constant 3 : i32
        %add3A_676 = arith.addi %add3A_399, %add3A_675 : i32
        %dma_wait3A_677 = arith.constant 4 : i32
        %dma_wait3A_678 = arith.constant 4 : i32
        %dma_wait3A_679 = arith.constant 0 : i32
        %dma_wait3A_680 = tpu.memref_slice %arg5[%dma_wait3A_677, %dma_wait3A_679] : memref<6x128xi32, #tpu.memory_space<vmem>> -> memref<1x128xi32, #tpu.memory_space<vmem>>
        %dma_wait3A_681 = tpu.memref_squeeze %dma_wait3A_680 : memref<1x128xi32, #tpu.memory_space<vmem>> -> memref<128xi32, #tpu.memory_space<vmem>>
        %dma_wait3A_682 = arith.constant 0 : i32
        %dma_wait3A_683 = tpu.memref_slice %arg2[%add3A, %add3A_676, %dma_wait3A_682] : memref<32x200x128xi32, #tpu.memory_space<hbm>> -> memref<1x1x128xi32, #tpu.memory_space<hbm>>
        %dma_wait3A_684 = tpu.memref_squeeze %dma_wait3A_683 : memref<1x1x128xi32, #tpu.memory_space<hbm>> -> memref<128xi32, #tpu.memory_space<hbm>>
        %dma_wait3A_685 = tpu.memref_slice %arg8[%dma_wait3A_678] : memref<6x!tpu.dma_semaphore, #tpu.memory_space<semaphore_mem>> -> memref<1x!tpu.dma_semaphore, #tpu.memory_space<semaphore_mem>>
        %dma_wait3A_686 = tpu.memref_squeeze %dma_wait3A_685 : memref<1x!tpu.dma_semaphore, #tpu.memory_space<semaphore_mem>> -> memref<!tpu.dma_semaphore, #tpu.memory_space<semaphore_mem>>
        %dma_wait3A_687 = arith.constant 0 : i32
        %dma_wait3A_688 = tpu.memref_slice %arg5[%dma_wait3A_677, %dma_wait3A_687] : memref<6x128xi32, #tpu.memory_space<vmem>> -> memref<1x128xi32, #tpu.memory_space<vmem>>
        %dma_wait3A_689 = tpu.memref_squeeze %dma_wait3A_688 : memref<1x128xi32, #tpu.memory_space<vmem>> -> memref<128xi32, #tpu.memory_space<vmem>>
        %dma_wait3A_690 = arith.constant 0 : i32
        %dma_wait3A_691 = tpu.memref_slice %arg2[%add3A, %add3A_676, %dma_wait3A_690] : memref<32x200x128xi32, #tpu.memory_space<hbm>> -> memref<1x1x128xi32, #tpu.memory_space<hbm>>
        %dma_wait3A_692 = tpu.memref_squeeze %dma_wait3A_691 : memref<1x1x128xi32, #tpu.memory_space<hbm>> -> memref<128xi32, #tpu.memory_space<hbm>>
        tpu.wait_dma2 semaphore(%dma_wait3A_686 : memref<!tpu.dma_semaphore, #tpu.memory_space<semaphore_mem>>) src(%dma_wait3A_692 : memref<128xi32, #tpu.memory_space<hbm>>) dst(%dma_wait3A_689 : memref<128xi32, #tpu.memory_space<vmem>>)
        %dma_start3A_693 = arith.constant 4 : i32
        %dma_start3A_694 = arith.constant 1 : i32
        %dma_start3A_695 = arith.constant 1 : i32
        %dma_start3A_696 = arith.constant 0 : i32
        %dma_start3A_697 = arith.constant 0 : i32
        %dma_start3A_698 = tpu.memref_slice %arg6[%dma_start3A_694, %dma_start3A_696, %dma_start3A_697] : memref<3x128x128xf32, #tpu.memory_space<vmem>> -> memref<1x128x128xf32, #tpu.memory_space<vmem>>
        %dma_start3A_699 = tpu.memref_squeeze %dma_start3A_698 : memref<1x128x128xf32, #tpu.memory_space<vmem>> -> memref<128x128xf32, #tpu.memory_space<vmem>>
        %dma_start3A_700 = arith.constant 0 : i32
        %dma_start3A_701 = tpu.memref_slice %arg5[%dma_start3A_693, %dma_start3A_700] : memref<6x128xi32, #tpu.memory_space<vmem>> -> memref<1x128xi32, #tpu.memory_space<vmem>>
        %dma_start3A_702 = tpu.memref_squeeze %dma_start3A_701 : memref<1x128xi32, #tpu.memory_space<vmem>> -> memref<128xi32, #tpu.memory_space<vmem>>
        %dma_start3A_703 = arith.constant 0 : i32
        %dma_start3A_704 = arith.constant 0 : i32
        %dma_start3A_705 = tpu.memref_slice %arg7[%dma_start3A_703, %dma_start3A_704] : memref<10000x128xf32, #tpu.memory_space<vmem_shared>> -> memref<10000x128xf32, #tpu.memory_space<vmem_shared>>
        %dma_start3A_706 = tpu.memref_slice %arg9[%dma_start3A_695] : memref<3x!tpu.dma_semaphore, #tpu.memory_space<semaphore_mem>> -> memref<1x!tpu.dma_semaphore, #tpu.memory_space<semaphore_mem>>
        %dma_start3A_707 = tpu.memref_squeeze %dma_start3A_706 : memref<1x!tpu.dma_semaphore, #tpu.memory_space<semaphore_mem>> -> memref<!tpu.dma_semaphore, #tpu.memory_space<semaphore_mem>>
        tpu.enqueue_indirect_dma source(%dma_start3A_705 : memref<10000x128xf32, #tpu.memory_space<vmem_shared>>) target(%dma_start3A_699 : memref<128x128xf32, #tpu.memory_space<vmem>>) offsets(%dma_start3A_702 : memref<128xi32, #tpu.memory_space<vmem>>) semaphore(%dma_start3A_707 : memref<!tpu.dma_semaphore, #tpu.memory_space<semaphore_mem>>)
      } else {
      }
      %mul3A_448 = arith.constant 6 : i32
      %mul3A_449 = arith.muli %add3A_343, %mul3A_448 : i32
      %add3A_450 = arith.constant 2 : i32
      %add3A_451 = arith.addi %mul3A_449, %add3A_450 : i32
      %dma_wait3A_452 = arith.constant 2 : i32
      %dma_wait3A_453 = arith.constant 2 : i32
      %dma_wait3A_454 = arith.constant 2 : i32
      %dma_wait3A_455 = arith.constant 0 : i32
      %dma_wait3A_456 = arith.constant 0 : i32
      %dma_wait3A_457 = tpu.memref_slice %arg6[%dma_wait3A_453, %dma_wait3A_455, %dma_wait3A_456] : memref<3x128x128xf32, #tpu.memory_space<vmem>> -> memref<1x128x128xf32, #tpu.memory_space<vmem>>
      %dma_wait3A_458 = tpu.memref_squeeze %dma_wait3A_457 : memref<1x128x128xf32, #tpu.memory_space<vmem>> -> memref<128x128xf32, #tpu.memory_space<vmem>>
      %dma_wait3A_459 = arith.constant 0 : i32
      %dma_wait3A_460 = tpu.memref_slice %arg5[%dma_wait3A_452, %dma_wait3A_459] : memref<6x128xi32, #tpu.memory_space<vmem>> -> memref<1x128xi32, #tpu.memory_space<vmem>>
      %dma_wait3A_461 = tpu.memref_squeeze %dma_wait3A_460 : memref<1x128xi32, #tpu.memory_space<vmem>> -> memref<128xi32, #tpu.memory_space<vmem>>
      %dma_wait3A_462 = arith.constant 0 : i32
      %dma_wait3A_463 = arith.constant 0 : i32
      %dma_wait3A_464 = tpu.memref_slice %arg7[%dma_wait3A_462, %dma_wait3A_463] : memref<10000x128xf32, #tpu.memory_space<vmem_shared>> -> memref<10000x128xf32, #tpu.memory_space<vmem_shared>>
      %dma_wait3A_465 = tpu.memref_slice %arg9[%dma_wait3A_454] : memref<3x!tpu.dma_semaphore, #tpu.memory_space<semaphore_mem>> -> memref<1x!tpu.dma_semaphore, #tpu.memory_space<semaphore_mem>>
      %dma_wait3A_466 = tpu.memref_squeeze %dma_wait3A_465 : memref<1x!tpu.dma_semaphore, #tpu.memory_space<semaphore_mem>> -> memref<!tpu.dma_semaphore, #tpu.memory_space<semaphore_mem>>
      tpu.wait_indirect_dma semaphore(%dma_wait3A_466 : memref<!tpu.dma_semaphore, #tpu.memory_space<semaphore_mem>>) src(%dma_wait3A_464 : memref<10000x128xf32, #tpu.memory_space<vmem_shared>>) dst(%dma_wait3A_458 : memref<128x128xf32, #tpu.memory_space<vmem>>)
      %mul3A_467 = arith.constant 128 : i32
      %mul3A_468 = arith.muli %add3A_451, %mul3A_467 : i32
      %add3A_469 = arith.addi %mul3A_2, %mul3A_468 : i32
      %dma_start3A_470 = arith.constant 2 : i32
      %dma_start3A_471 = arith.constant 2 : i32
      %dma_start3A_472 = arith.constant 0 : i32
      %dma_start3A_473 = arith.constant 0 : i32
      %dma_start3A_474 = tpu.memref_slice %arg6[%dma_start3A_470, %dma_start3A_472, %dma_start3A_473] : memref<3x128x128xf32, #tpu.memory_space<vmem>> -> memref<1x128x128xf32, #tpu.memory_space<vmem>>
      %dma_start3A_475 = tpu.memref_squeeze %dma_start3A_474 : memref<1x128x128xf32, #tpu.memory_space<vmem>> -> memref<128x128xf32, #tpu.memory_space<vmem>>
      %dma_start3A_476 = arith.constant 0 : i32
      %dma_start3A_477 = tpu.memref_slice %arg4[%add3A_469, %dma_start3A_476] : memref<819200x128xf32, #tpu.memory_space<hbm>> -> memref<128x128xf32, #tpu.memory_space<hbm>>
      %dma_start3A_478 = tpu.memref_slice %arg10[%dma_start3A_471] : memref<3x!tpu.dma_semaphore, #tpu.memory_space<semaphore_mem>> -> memref<1x!tpu.dma_semaphore, #tpu.memory_space<semaphore_mem>>
      %dma_start3A_479 = tpu.memref_squeeze %dma_start3A_478 : memref<1x!tpu.dma_semaphore, #tpu.memory_space<semaphore_mem>> -> memref<!tpu.dma_semaphore, #tpu.memory_space<semaphore_mem>>
      %dma_start3A_480 = arith.constant 0 : i32
      %dma_start3A_481 = tpu.memref_slice %arg4[%add3A_469, %dma_start3A_480] : memref<819200x128xf32, #tpu.memory_space<hbm>> -> memref<128x128xf32, #tpu.memory_space<hbm>>
      %dma_start3A_482 = arith.constant 0 : i32
      %dma_start3A_483 = arith.constant 0 : i32
      %dma_start3A_484 = tpu.memref_slice %arg6[%dma_start3A_470, %dma_start3A_482, %dma_start3A_483] : memref<3x128x128xf32, #tpu.memory_space<vmem>> -> memref<1x128x128xf32, #tpu.memory_space<vmem>>
      %dma_start3A_485 = tpu.memref_squeeze %dma_start3A_484 : memref<1x128x128xf32, #tpu.memory_space<vmem>> -> memref<128x128xf32, #tpu.memory_space<vmem>>
      tpu.enqueue_dma source(%dma_start3A_485 : memref<128x128xf32, #tpu.memory_space<vmem>>) target(%dma_start3A_481 : memref<128x128xf32, #tpu.memory_space<hbm>>) target_semaphore(%dma_start3A_479 : memref<!tpu.dma_semaphore, #tpu.memory_space<semaphore_mem>>)
      %add3A_486 = arith.constant 6 : i32
      %add3A_487 = arith.addi %add3A_451, %add3A_486 : i32
      %lt3A_488 = arith.constant 200 : i32
      %lt3A_489 = arith.cmpi slt, %add3A_487, %lt3A_488 : i32
      %convert_element_type3A_490 = arith.extui %lt3A_489 : i1 to i32
      %cond3A_491 = arith.constant 0 : i32
      %cond3A_492 = arith.cmpi ne, %convert_element_type3A_490, %cond3A_491 : i32
      scf.if %cond3A_492 {
        %add3A_656 = arith.constant 6 : i32
        %add3A_657 = arith.addi %add3A_451, %add3A_656 : i32
        %dma_start3A_658 = arith.constant 2 : i32
        %dma_start3A_659 = arith.constant 2 : i32
        %dma_start3A_660 = arith.constant 0 : i32
        %dma_start3A_661 = tpu.memref_slice %arg5[%dma_start3A_658, %dma_start3A_660] : memref<6x128xi32, #tpu.memory_space<vmem>> -> memref<1x128xi32, #tpu.memory_space<vmem>>
        %dma_start3A_662 = tpu.memref_squeeze %dma_start3A_661 : memref<1x128xi32, #tpu.memory_space<vmem>> -> memref<128xi32, #tpu.memory_space<vmem>>
        %dma_start3A_663 = arith.constant 0 : i32
        %dma_start3A_664 = tpu.memref_slice %arg2[%add3A, %add3A_657, %dma_start3A_663] : memref<32x200x128xi32, #tpu.memory_space<hbm>> -> memref<1x1x128xi32, #tpu.memory_space<hbm>>
        %dma_start3A_665 = tpu.memref_squeeze %dma_start3A_664 : memref<1x1x128xi32, #tpu.memory_space<hbm>> -> memref<128xi32, #tpu.memory_space<hbm>>
        %dma_start3A_666 = tpu.memref_slice %arg8[%dma_start3A_659] : memref<6x!tpu.dma_semaphore, #tpu.memory_space<semaphore_mem>> -> memref<1x!tpu.dma_semaphore, #tpu.memory_space<semaphore_mem>>
        %dma_start3A_667 = tpu.memref_squeeze %dma_start3A_666 : memref<1x!tpu.dma_semaphore, #tpu.memory_space<semaphore_mem>> -> memref<!tpu.dma_semaphore, #tpu.memory_space<semaphore_mem>>
        %dma_start3A_668 = arith.constant 0 : i32
        %dma_start3A_669 = tpu.memref_slice %arg5[%dma_start3A_658, %dma_start3A_668] : memref<6x128xi32, #tpu.memory_space<vmem>> -> memref<1x128xi32, #tpu.memory_space<vmem>>
        %dma_start3A_670 = tpu.memref_squeeze %dma_start3A_669 : memref<1x128xi32, #tpu.memory_space<vmem>> -> memref<128xi32, #tpu.memory_space<vmem>>
        %dma_start3A_671 = arith.constant 0 : i32
        %dma_start3A_672 = tpu.memref_slice %arg2[%add3A, %add3A_657, %dma_start3A_671] : memref<32x200x128xi32, #tpu.memory_space<hbm>> -> memref<1x1x128xi32, #tpu.memory_space<hbm>>
        %dma_start3A_673 = tpu.memref_squeeze %dma_start3A_672 : memref<1x1x128xi32, #tpu.memory_space<hbm>> -> memref<128xi32, #tpu.memory_space<hbm>>
        tpu.enqueue_dma source(%dma_start3A_673 : memref<128xi32, #tpu.memory_space<hbm>>) target(%dma_start3A_670 : memref<128xi32, #tpu.memory_space<vmem>>) target_semaphore(%dma_start3A_667 : memref<!tpu.dma_semaphore, #tpu.memory_space<semaphore_mem>>)
      } else {
      }
      %add3A_493 = arith.constant 3 : i32
      %add3A_494 = arith.addi %add3A_451, %add3A_493 : i32
      %lt3A_495 = arith.constant 200 : i32
      %lt3A_496 = arith.cmpi slt, %add3A_494, %lt3A_495 : i32
      %convert_element_type3A_497 = arith.extui %lt3A_496 : i1 to i32
      %cond3A_498 = arith.constant 0 : i32
      %cond3A_499 = arith.cmpi ne, %convert_element_type3A_497, %cond3A_498 : i32
      scf.if %cond3A_499 {
        %mul3A_656 = arith.constant 128 : i32
        %mul3A_657 = arith.muli %add3A_451, %mul3A_656 : i32
        %add3A_658 = arith.addi %mul3A_2, %mul3A_657 : i32
        %dma_wait3A_659 = arith.constant 2 : i32
        %dma_wait3A_660 = arith.constant 2 : i32
        %dma_wait3A_661 = arith.constant 0 : i32
        %dma_wait3A_662 = arith.constant 0 : i32
        %dma_wait3A_663 = tpu.memref_slice %arg6[%dma_wait3A_659, %dma_wait3A_661, %dma_wait3A_662] : memref<3x128x128xf32, #tpu.memory_space<vmem>> -> memref<1x128x128xf32, #tpu.memory_space<vmem>>
        %dma_wait3A_664 = tpu.memref_squeeze %dma_wait3A_663 : memref<1x128x128xf32, #tpu.memory_space<vmem>> -> memref<128x128xf32, #tpu.memory_space<vmem>>
        %dma_wait3A_665 = arith.constant 0 : i32
        %dma_wait3A_666 = tpu.memref_slice %arg4[%add3A_658, %dma_wait3A_665] : memref<819200x128xf32, #tpu.memory_space<hbm>> -> memref<128x128xf32, #tpu.memory_space<hbm>>
        %dma_wait3A_667 = tpu.memref_slice %arg10[%dma_wait3A_660] : memref<3x!tpu.dma_semaphore, #tpu.memory_space<semaphore_mem>> -> memref<1x!tpu.dma_semaphore, #tpu.memory_space<semaphore_mem>>
        %dma_wait3A_668 = tpu.memref_squeeze %dma_wait3A_667 : memref<1x!tpu.dma_semaphore, #tpu.memory_space<semaphore_mem>> -> memref<!tpu.dma_semaphore, #tpu.memory_space<semaphore_mem>>
        %dma_wait3A_669 = arith.constant 0 : i32
        %dma_wait3A_670 = tpu.memref_slice %arg4[%add3A_658, %dma_wait3A_669] : memref<819200x128xf32, #tpu.memory_space<hbm>> -> memref<128x128xf32, #tpu.memory_space<hbm>>
        %dma_wait3A_671 = arith.constant 0 : i32
        %dma_wait3A_672 = arith.constant 0 : i32
        %dma_wait3A_673 = tpu.memref_slice %arg6[%dma_wait3A_659, %dma_wait3A_671, %dma_wait3A_672] : memref<3x128x128xf32, #tpu.memory_space<vmem>> -> memref<1x128x128xf32, #tpu.memory_space<vmem>>
        %dma_wait3A_674 = tpu.memref_squeeze %dma_wait3A_673 : memref<1x128x128xf32, #tpu.memory_space<vmem>> -> memref<128x128xf32, #tpu.memory_space<vmem>>
        tpu.wait_dma2 semaphore(%dma_wait3A_668 : memref<!tpu.dma_semaphore, #tpu.memory_space<semaphore_mem>>) src(%dma_wait3A_674 : memref<128x128xf32, #tpu.memory_space<vmem>>) dst(%dma_wait3A_670 : memref<128x128xf32, #tpu.memory_space<hbm>>)
        %add3A_675 = arith.constant 3 : i32
        %add3A_676 = arith.addi %add3A_451, %add3A_675 : i32
        %dma_wait3A_677 = arith.constant 5 : i32
        %dma_wait3A_678 = arith.constant 5 : i32
        %dma_wait3A_679 = arith.constant 0 : i32
        %dma_wait3A_680 = tpu.memref_slice %arg5[%dma_wait3A_677, %dma_wait3A_679] : memref<6x128xi32, #tpu.memory_space<vmem>> -> memref<1x128xi32, #tpu.memory_space<vmem>>
        %dma_wait3A_681 = tpu.memref_squeeze %dma_wait3A_680 : memref<1x128xi32, #tpu.memory_space<vmem>> -> memref<128xi32, #tpu.memory_space<vmem>>
        %dma_wait3A_682 = arith.constant 0 : i32
        %dma_wait3A_683 = tpu.memref_slice %arg2[%add3A, %add3A_676, %dma_wait3A_682] : memref<32x200x128xi32, #tpu.memory_space<hbm>> -> memref<1x1x128xi32, #tpu.memory_space<hbm>>
        %dma_wait3A_684 = tpu.memref_squeeze %dma_wait3A_683 : memref<1x1x128xi32, #tpu.memory_space<hbm>> -> memref<128xi32, #tpu.memory_space<hbm>>
        %dma_wait3A_685 = tpu.memref_slice %arg8[%dma_wait3A_678] : memref<6x!tpu.dma_semaphore, #tpu.memory_space<semaphore_mem>> -> memref<1x!tpu.dma_semaphore, #tpu.memory_space<semaphore_mem>>
        %dma_wait3A_686 = tpu.memref_squeeze %dma_wait3A_685 : memref<1x!tpu.dma_semaphore, #tpu.memory_space<semaphore_mem>> -> memref<!tpu.dma_semaphore, #tpu.memory_space<semaphore_mem>>
        %dma_wait3A_687 = arith.constant 0 : i32
        %dma_wait3A_688 = tpu.memref_slice %arg5[%dma_wait3A_677, %dma_wait3A_687] : memref<6x128xi32, #tpu.memory_space<vmem>> -> memref<1x128xi32, #tpu.memory_space<vmem>>
        %dma_wait3A_689 = tpu.memref_squeeze %dma_wait3A_688 : memref<1x128xi32, #tpu.memory_space<vmem>> -> memref<128xi32, #tpu.memory_space<vmem>>
        %dma_wait3A_690 = arith.constant 0 : i32
        %dma_wait3A_691 = tpu.memref_slice %arg2[%add3A, %add3A_676, %dma_wait3A_690] : memref<32x200x128xi32, #tpu.memory_space<hbm>> -> memref<1x1x128xi32, #tpu.memory_space<hbm>>
        %dma_wait3A_692 = tpu.memref_squeeze %dma_wait3A_691 : memref<1x1x128xi32, #tpu.memory_space<hbm>> -> memref<128xi32, #tpu.memory_space<hbm>>
        tpu.wait_dma2 semaphore(%dma_wait3A_686 : memref<!tpu.dma_semaphore, #tpu.memory_space<semaphore_mem>>) src(%dma_wait3A_692 : memref<128xi32, #tpu.memory_space<hbm>>) dst(%dma_wait3A_689 : memref<128xi32, #tpu.memory_space<vmem>>)
        %dma_start3A_693 = arith.constant 5 : i32
        %dma_start3A_694 = arith.constant 2 : i32
        %dma_start3A_695 = arith.constant 2 : i32
        %dma_start3A_696 = arith.constant 0 : i32
        %dma_start3A_697 = arith.constant 0 : i32
        %dma_start3A_698 = tpu.memref_slice %arg6[%dma_start3A_694, %dma_start3A_696, %dma_start3A_697] : memref<3x128x128xf32, #tpu.memory_space<vmem>> -> memref<1x128x128xf32, #tpu.memory_space<vmem>>
        %dma_start3A_699 = tpu.memref_squeeze %dma_start3A_698 : memref<1x128x128xf32, #tpu.memory_space<vmem>> -> memref<128x128xf32, #tpu.memory_space<vmem>>
        %dma_start3A_700 = arith.constant 0 : i32
        %dma_start3A_701 = tpu.memref_slice %arg5[%dma_start3A_693, %dma_start3A_700] : memref<6x128xi32, #tpu.memory_space<vmem>> -> memref<1x128xi32, #tpu.memory_space<vmem>>
        %dma_start3A_702 = tpu.memref_squeeze %dma_start3A_701 : memref<1x128xi32, #tpu.memory_space<vmem>> -> memref<128xi32, #tpu.memory_space<vmem>>
        %dma_start3A_703 = arith.constant 0 : i32
        %dma_start3A_704 = arith.constant 0 : i32
        %dma_start3A_705 = tpu.memref_slice %arg7[%dma_start3A_703, %dma_start3A_704] : memref<10000x128xf32, #tpu.memory_space<vmem_shared>> -> memref<10000x128xf32, #tpu.memory_space<vmem_shared>>
        %dma_start3A_706 = tpu.memref_slice %arg9[%dma_start3A_695] : memref<3x!tpu.dma_semaphore, #tpu.memory_space<semaphore_mem>> -> memref<1x!tpu.dma_semaphore, #tpu.memory_space<semaphore_mem>>
        %dma_start3A_707 = tpu.memref_squeeze %dma_start3A_706 : memref<1x!tpu.dma_semaphore, #tpu.memory_space<semaphore_mem>> -> memref<!tpu.dma_semaphore, #tpu.memory_space<semaphore_mem>>
        tpu.enqueue_indirect_dma source(%dma_start3A_705 : memref<10000x128xf32, #tpu.memory_space<vmem_shared>>) target(%dma_start3A_699 : memref<128x128xf32, #tpu.memory_space<vmem>>) offsets(%dma_start3A_702 : memref<128xi32, #tpu.memory_space<vmem>>) semaphore(%dma_start3A_707 : memref<!tpu.dma_semaphore, #tpu.memory_space<semaphore_mem>>)
      } else {
      }
      %mul3A_500 = arith.constant 6 : i32
      %mul3A_501 = arith.muli %add3A_343, %mul3A_500 : i32
      %add3A_502 = arith.constant 3 : i32
      %add3A_503 = arith.addi %mul3A_501, %add3A_502 : i32
      %dma_wait3A_504 = arith.constant 3 : i32
      %dma_wait3A_505 = arith.constant 0 : i32
      %dma_wait3A_506 = arith.constant 0 : i32
      %dma_wait3A_507 = arith.constant 0 : i32
      %dma_wait3A_508 = arith.constant 0 : i32
      %dma_wait3A_509 = tpu.memref_slice %arg6[%dma_wait3A_505, %dma_wait3A_507, %dma_wait3A_508] : memref<3x128x128xf32, #tpu.memory_space<vmem>> -> memref<1x128x128xf32, #tpu.memory_space<vmem>>
      %dma_wait3A_510 = tpu.memref_squeeze %dma_wait3A_509 : memref<1x128x128xf32, #tpu.memory_space<vmem>> -> memref<128x128xf32, #tpu.memory_space<vmem>>
      %dma_wait3A_511 = arith.constant 0 : i32
      %dma_wait3A_512 = tpu.memref_slice %arg5[%dma_wait3A_504, %dma_wait3A_511] : memref<6x128xi32, #tpu.memory_space<vmem>> -> memref<1x128xi32, #tpu.memory_space<vmem>>
      %dma_wait3A_513 = tpu.memref_squeeze %dma_wait3A_512 : memref<1x128xi32, #tpu.memory_space<vmem>> -> memref<128xi32, #tpu.memory_space<vmem>>
      %dma_wait3A_514 = arith.constant 0 : i32
      %dma_wait3A_515 = arith.constant 0 : i32
      %dma_wait3A_516 = tpu.memref_slice %arg7[%dma_wait3A_514, %dma_wait3A_515] : memref<10000x128xf32, #tpu.memory_space<vmem_shared>> -> memref<10000x128xf32, #tpu.memory_space<vmem_shared>>
      %dma_wait3A_517 = tpu.memref_slice %arg9[%dma_wait3A_506] : memref<3x!tpu.dma_semaphore, #tpu.memory_space<semaphore_mem>> -> memref<1x!tpu.dma_semaphore, #tpu.memory_space<semaphore_mem>>
      %dma_wait3A_518 = tpu.memref_squeeze %dma_wait3A_517 : memref<1x!tpu.dma_semaphore, #tpu.memory_space<semaphore_mem>> -> memref<!tpu.dma_semaphore, #tpu.memory_space<semaphore_mem>>
      tpu.wait_indirect_dma semaphore(%dma_wait3A_518 : memref<!tpu.dma_semaphore, #tpu.memory_space<semaphore_mem>>) src(%dma_wait3A_516 : memref<10000x128xf32, #tpu.memory_space<vmem_shared>>) dst(%dma_wait3A_510 : memref<128x128xf32, #tpu.memory_space<vmem>>)
      %mul3A_519 = arith.constant 128 : i32
      %mul3A_520 = arith.muli %add3A_503, %mul3A_519 : i32
      %add3A_521 = arith.addi %mul3A_2, %mul3A_520 : i32
      %dma_start3A_522 = arith.constant 0 : i32
      %dma_start3A_523 = arith.constant 0 : i32
      %dma_start3A_524 = arith.constant 0 : i32
      %dma_start3A_525 = arith.constant 0 : i32
      %dma_start3A_526 = tpu.memref_slice %arg6[%dma_start3A_522, %dma_start3A_524, %dma_start3A_525] : memref<3x128x128xf32, #tpu.memory_space<vmem>> -> memref<1x128x128xf32, #tpu.memory_space<vmem>>
      %dma_start3A_527 = tpu.memref_squeeze %dma_start3A_526 : memref<1x128x128xf32, #tpu.memory_space<vmem>> -> memref<128x128xf32, #tpu.memory_space<vmem>>
      %dma_start3A_528 = arith.constant 0 : i32
      %dma_start3A_529 = tpu.memref_slice %arg4[%add3A_521, %dma_start3A_528] : memref<819200x128xf32, #tpu.memory_space<hbm>> -> memref<128x128xf32, #tpu.memory_space<hbm>>
      %dma_start3A_530 = tpu.memref_slice %arg10[%dma_start3A_523] : memref<3x!tpu.dma_semaphore, #tpu.memory_space<semaphore_mem>> -> memref<1x!tpu.dma_semaphore, #tpu.memory_space<semaphore_mem>>
      %dma_start3A_531 = tpu.memref_squeeze %dma_start3A_530 : memref<1x!tpu.dma_semaphore, #tpu.memory_space<semaphore_mem>> -> memref<!tpu.dma_semaphore, #tpu.memory_space<semaphore_mem>>
      %dma_start3A_532 = arith.constant 0 : i32
      %dma_start3A_533 = tpu.memref_slice %arg4[%add3A_521, %dma_start3A_532] : memref<819200x128xf32, #tpu.memory_space<hbm>> -> memref<128x128xf32, #tpu.memory_space<hbm>>
      %dma_start3A_534 = arith.constant 0 : i32
      %dma_start3A_535 = arith.constant 0 : i32
      %dma_start3A_536 = tpu.memref_slice %arg6[%dma_start3A_522, %dma_start3A_534, %dma_start3A_535] : memref<3x128x128xf32, #tpu.memory_space<vmem>> -> memref<1x128x128xf32, #tpu.memory_space<vmem>>
      %dma_start3A_537 = tpu.memref_squeeze %dma_start3A_536 : memref<1x128x128xf32, #tpu.memory_space<vmem>> -> memref<128x128xf32, #tpu.memory_space<vmem>>
      tpu.enqueue_dma source(%dma_start3A_537 : memref<128x128xf32, #tpu.memory_space<vmem>>) target(%dma_start3A_533 : memref<128x128xf32, #tpu.memory_space<hbm>>) target_semaphore(%dma_start3A_531 : memref<!tpu.dma_semaphore, #tpu.memory_space<semaphore_mem>>)
      %add3A_538 = arith.constant 6 : i32
      %add3A_539 = arith.addi %add3A_503, %add3A_538 : i32
      %lt3A_540 = arith.constant 200 : i32
      %lt3A_541 = arith.cmpi slt, %add3A_539, %lt3A_540 : i32
      %convert_element_type3A_542 = arith.extui %lt3A_541 : i1 to i32
      %cond3A_543 = arith.constant 0 : i32
      %cond3A_544 = arith.cmpi ne, %convert_element_type3A_542, %cond3A_543 : i32
      scf.if %cond3A_544 {
        %add3A_656 = arith.constant 6 : i32
        %add3A_657 = arith.addi %add3A_503, %add3A_656 : i32
        %dma_start3A_658 = arith.constant 3 : i32
        %dma_start3A_659 = arith.constant 3 : i32
        %dma_start3A_660 = arith.constant 0 : i32
        %dma_start3A_661 = tpu.memref_slice %arg5[%dma_start3A_658, %dma_start3A_660] : memref<6x128xi32, #tpu.memory_space<vmem>> -> memref<1x128xi32, #tpu.memory_space<vmem>>
        %dma_start3A_662 = tpu.memref_squeeze %dma_start3A_661 : memref<1x128xi32, #tpu.memory_space<vmem>> -> memref<128xi32, #tpu.memory_space<vmem>>
        %dma_start3A_663 = arith.constant 0 : i32
        %dma_start3A_664 = tpu.memref_slice %arg2[%add3A, %add3A_657, %dma_start3A_663] : memref<32x200x128xi32, #tpu.memory_space<hbm>> -> memref<1x1x128xi32, #tpu.memory_space<hbm>>
        %dma_start3A_665 = tpu.memref_squeeze %dma_start3A_664 : memref<1x1x128xi32, #tpu.memory_space<hbm>> -> memref<128xi32, #tpu.memory_space<hbm>>
        %dma_start3A_666 = tpu.memref_slice %arg8[%dma_start3A_659] : memref<6x!tpu.dma_semaphore, #tpu.memory_space<semaphore_mem>> -> memref<1x!tpu.dma_semaphore, #tpu.memory_space<semaphore_mem>>
        %dma_start3A_667 = tpu.memref_squeeze %dma_start3A_666 : memref<1x!tpu.dma_semaphore, #tpu.memory_space<semaphore_mem>> -> memref<!tpu.dma_semaphore, #tpu.memory_space<semaphore_mem>>
        %dma_start3A_668 = arith.constant 0 : i32
        %dma_start3A_669 = tpu.memref_slice %arg5[%dma_start3A_658, %dma_start3A_668] : memref<6x128xi32, #tpu.memory_space<vmem>> -> memref<1x128xi32, #tpu.memory_space<vmem>>
        %dma_start3A_670 = tpu.memref_squeeze %dma_start3A_669 : memref<1x128xi32, #tpu.memory_space<vmem>> -> memref<128xi32, #tpu.memory_space<vmem>>
        %dma_start3A_671 = arith.constant 0 : i32
        %dma_start3A_672 = tpu.memref_slice %arg2[%add3A, %add3A_657, %dma_start3A_671] : memref<32x200x128xi32, #tpu.memory_space<hbm>> -> memref<1x1x128xi32, #tpu.memory_space<hbm>>
        %dma_start3A_673 = tpu.memref_squeeze %dma_start3A_672 : memref<1x1x128xi32, #tpu.memory_space<hbm>> -> memref<128xi32, #tpu.memory_space<hbm>>
        tpu.enqueue_dma source(%dma_start3A_673 : memref<128xi32, #tpu.memory_space<hbm>>) target(%dma_start3A_670 : memref<128xi32, #tpu.memory_space<vmem>>) target_semaphore(%dma_start3A_667 : memref<!tpu.dma_semaphore, #tpu.memory_space<semaphore_mem>>)
      } else {
      }
      %add3A_545 = arith.constant 3 : i32
      %add3A_546 = arith.addi %add3A_503, %add3A_545 : i32
      %lt3A_547 = arith.constant 200 : i32
      %lt3A_548 = arith.cmpi slt, %add3A_546, %lt3A_547 : i32
      %convert_element_type3A_549 = arith.extui %lt3A_548 : i1 to i32
      %cond3A_550 = arith.constant 0 : i32
      %cond3A_551 = arith.cmpi ne, %convert_element_type3A_549, %cond3A_550 : i32
      scf.if %cond3A_551 {
        %mul3A_656 = arith.constant 128 : i32
        %mul3A_657 = arith.muli %add3A_503, %mul3A_656 : i32
        %add3A_658 = arith.addi %mul3A_2, %mul3A_657 : i32
        %dma_wait3A_659 = arith.constant 0 : i32
        %dma_wait3A_660 = arith.constant 0 : i32
        %dma_wait3A_661 = arith.constant 0 : i32
        %dma_wait3A_662 = arith.constant 0 : i32
        %dma_wait3A_663 = tpu.memref_slice %arg6[%dma_wait3A_659, %dma_wait3A_661, %dma_wait3A_662] : memref<3x128x128xf32, #tpu.memory_space<vmem>> -> memref<1x128x128xf32, #tpu.memory_space<vmem>>
        %dma_wait3A_664 = tpu.memref_squeeze %dma_wait3A_663 : memref<1x128x128xf32, #tpu.memory_space<vmem>> -> memref<128x128xf32, #tpu.memory_space<vmem>>
        %dma_wait3A_665 = arith.constant 0 : i32
        %dma_wait3A_666 = tpu.memref_slice %arg4[%add3A_658, %dma_wait3A_665] : memref<819200x128xf32, #tpu.memory_space<hbm>> -> memref<128x128xf32, #tpu.memory_space<hbm>>
        %dma_wait3A_667 = tpu.memref_slice %arg10[%dma_wait3A_660] : memref<3x!tpu.dma_semaphore, #tpu.memory_space<semaphore_mem>> -> memref<1x!tpu.dma_semaphore, #tpu.memory_space<semaphore_mem>>
        %dma_wait3A_668 = tpu.memref_squeeze %dma_wait3A_667 : memref<1x!tpu.dma_semaphore, #tpu.memory_space<semaphore_mem>> -> memref<!tpu.dma_semaphore, #tpu.memory_space<semaphore_mem>>
        %dma_wait3A_669 = arith.constant 0 : i32
        %dma_wait3A_670 = tpu.memref_slice %arg4[%add3A_658, %dma_wait3A_669] : memref<819200x128xf32, #tpu.memory_space<hbm>> -> memref<128x128xf32, #tpu.memory_space<hbm>>
        %dma_wait3A_671 = arith.constant 0 : i32
        %dma_wait3A_672 = arith.constant 0 : i32
        %dma_wait3A_673 = tpu.memref_slice %arg6[%dma_wait3A_659, %dma_wait3A_671, %dma_wait3A_672] : memref<3x128x128xf32, #tpu.memory_space<vmem>> -> memref<1x128x128xf32, #tpu.memory_space<vmem>>
        %dma_wait3A_674 = tpu.memref_squeeze %dma_wait3A_673 : memref<1x128x128xf32, #tpu.memory_space<vmem>> -> memref<128x128xf32, #tpu.memory_space<vmem>>
        tpu.wait_dma2 semaphore(%dma_wait3A_668 : memref<!tpu.dma_semaphore, #tpu.memory_space<semaphore_mem>>) src(%dma_wait3A_674 : memref<128x128xf32, #tpu.memory_space<vmem>>) dst(%dma_wait3A_670 : memref<128x128xf32, #tpu.memory_space<hbm>>)
        %add3A_675 = arith.constant 3 : i32
        %add3A_676 = arith.addi %add3A_503, %add3A_675 : i32
        %dma_wait3A_677 = arith.constant 0 : i32
        %dma_wait3A_678 = arith.constant 0 : i32
        %dma_wait3A_679 = arith.constant 0 : i32
        %dma_wait3A_680 = tpu.memref_slice %arg5[%dma_wait3A_677, %dma_wait3A_679] : memref<6x128xi32, #tpu.memory_space<vmem>> -> memref<1x128xi32, #tpu.memory_space<vmem>>
        %dma_wait3A_681 = tpu.memref_squeeze %dma_wait3A_680 : memref<1x128xi32, #tpu.memory_space<vmem>> -> memref<128xi32, #tpu.memory_space<vmem>>
        %dma_wait3A_682 = arith.constant 0 : i32
        %dma_wait3A_683 = tpu.memref_slice %arg2[%add3A, %add3A_676, %dma_wait3A_682] : memref<32x200x128xi32, #tpu.memory_space<hbm>> -> memref<1x1x128xi32, #tpu.memory_space<hbm>>
        %dma_wait3A_684 = tpu.memref_squeeze %dma_wait3A_683 : memref<1x1x128xi32, #tpu.memory_space<hbm>> -> memref<128xi32, #tpu.memory_space<hbm>>
        %dma_wait3A_685 = tpu.memref_slice %arg8[%dma_wait3A_678] : memref<6x!tpu.dma_semaphore, #tpu.memory_space<semaphore_mem>> -> memref<1x!tpu.dma_semaphore, #tpu.memory_space<semaphore_mem>>
        %dma_wait3A_686 = tpu.memref_squeeze %dma_wait3A_685 : memref<1x!tpu.dma_semaphore, #tpu.memory_space<semaphore_mem>> -> memref<!tpu.dma_semaphore, #tpu.memory_space<semaphore_mem>>
        %dma_wait3A_687 = arith.constant 0 : i32
        %dma_wait3A_688 = tpu.memref_slice %arg5[%dma_wait3A_677, %dma_wait3A_687] : memref<6x128xi32, #tpu.memory_space<vmem>> -> memref<1x128xi32, #tpu.memory_space<vmem>>
        %dma_wait3A_689 = tpu.memref_squeeze %dma_wait3A_688 : memref<1x128xi32, #tpu.memory_space<vmem>> -> memref<128xi32, #tpu.memory_space<vmem>>
        %dma_wait3A_690 = arith.constant 0 : i32
        %dma_wait3A_691 = tpu.memref_slice %arg2[%add3A, %add3A_676, %dma_wait3A_690] : memref<32x200x128xi32, #tpu.memory_space<hbm>> -> memref<1x1x128xi32, #tpu.memory_space<hbm>>
        %dma_wait3A_692 = tpu.memref_squeeze %dma_wait3A_691 : memref<1x1x128xi32, #tpu.memory_space<hbm>> -> memref<128xi32, #tpu.memory_space<hbm>>
        tpu.wait_dma2 semaphore(%dma_wait3A_686 : memref<!tpu.dma_semaphore, #tpu.memory_space<semaphore_mem>>) src(%dma_wait3A_692 : memref<128xi32, #tpu.memory_space<hbm>>) dst(%dma_wait3A_689 : memref<128xi32, #tpu.memory_space<vmem>>)
        %dma_start3A_693 = arith.constant 0 : i32
        %dma_start3A_694 = arith.constant 0 : i32
        %dma_start3A_695 = arith.constant 0 : i32
        %dma_start3A_696 = arith.constant 0 : i32
        %dma_start3A_697 = arith.constant 0 : i32
        %dma_start3A_698 = tpu.memref_slice %arg6[%dma_start3A_694, %dma_start3A_696, %dma_start3A_697] : memref<3x128x128xf32, #tpu.memory_space<vmem>> -> memref<1x128x128xf32, #tpu.memory_space<vmem>>
        %dma_start3A_699 = tpu.memref_squeeze %dma_start3A_698 : memref<1x128x128xf32, #tpu.memory_space<vmem>> -> memref<128x128xf32, #tpu.memory_space<vmem>>
        %dma_start3A_700 = arith.constant 0 : i32
        %dma_start3A_701 = tpu.memref_slice %arg5[%dma_start3A_693, %dma_start3A_700] : memref<6x128xi32, #tpu.memory_space<vmem>> -> memref<1x128xi32, #tpu.memory_space<vmem>>
        %dma_start3A_702 = tpu.memref_squeeze %dma_start3A_701 : memref<1x128xi32, #tpu.memory_space<vmem>> -> memref<128xi32, #tpu.memory_space<vmem>>
        %dma_start3A_703 = arith.constant 0 : i32
        %dma_start3A_704 = arith.constant 0 : i32
        %dma_start3A_705 = tpu.memref_slice %arg7[%dma_start3A_703, %dma_start3A_704] : memref<10000x128xf32, #tpu.memory_space<vmem_shared>> -> memref<10000x128xf32, #tpu.memory_space<vmem_shared>>
        %dma_start3A_706 = tpu.memref_slice %arg9[%dma_start3A_695] : memref<3x!tpu.dma_semaphore, #tpu.memory_space<semaphore_mem>> -> memref<1x!tpu.dma_semaphore, #tpu.memory_space<semaphore_mem>>
        %dma_start3A_707 = tpu.memref_squeeze %dma_start3A_706 : memref<1x!tpu.dma_semaphore, #tpu.memory_space<semaphore_mem>> -> memref<!tpu.dma_semaphore, #tpu.memory_space<semaphore_mem>>
        tpu.enqueue_indirect_dma source(%dma_start3A_705 : memref<10000x128xf32, #tpu.memory_space<vmem_shared>>) target(%dma_start3A_699 : memref<128x128xf32, #tpu.memory_space<vmem>>) offsets(%dma_start3A_702 : memref<128xi32, #tpu.memory_space<vmem>>) semaphore(%dma_start3A_707 : memref<!tpu.dma_semaphore, #tpu.memory_space<semaphore_mem>>)
      } else {
      }
      %mul3A_552 = arith.constant 6 : i32
      %mul3A_553 = arith.muli %add3A_343, %mul3A_552 : i32
      %add3A_554 = arith.constant 4 : i32
      %add3A_555 = arith.addi %mul3A_553, %add3A_554 : i32
      %dma_wait3A_556 = arith.constant 4 : i32
      %dma_wait3A_557 = arith.constant 1 : i32
      %dma_wait3A_558 = arith.constant 1 : i32
      %dma_wait3A_559 = arith.constant 0 : i32
      %dma_wait3A_560 = arith.constant 0 : i32
      %dma_wait3A_561 = tpu.memref_slice %arg6[%dma_wait3A_557, %dma_wait3A_559, %dma_wait3A_560] : memref<3x128x128xf32, #tpu.memory_space<vmem>> -> memref<1x128x128xf32, #tpu.memory_space<vmem>>
      %dma_wait3A_562 = tpu.memref_squeeze %dma_wait3A_561 : memref<1x128x128xf32, #tpu.memory_space<vmem>> -> memref<128x128xf32, #tpu.memory_space<vmem>>
      %dma_wait3A_563 = arith.constant 0 : i32
      %dma_wait3A_564 = tpu.memref_slice %arg5[%dma_wait3A_556, %dma_wait3A_563] : memref<6x128xi32, #tpu.memory_space<vmem>> -> memref<1x128xi32, #tpu.memory_space<vmem>>
      %dma_wait3A_565 = tpu.memref_squeeze %dma_wait3A_564 : memref<1x128xi32, #tpu.memory_space<vmem>> -> memref<128xi32, #tpu.memory_space<vmem>>
      %dma_wait3A_566 = arith.constant 0 : i32
      %dma_wait3A_567 = arith.constant 0 : i32
      %dma_wait3A_568 = tpu.memref_slice %arg7[%dma_wait3A_566, %dma_wait3A_567] : memref<10000x128xf32, #tpu.memory_space<vmem_shared>> -> memref<10000x128xf32, #tpu.memory_space<vmem_shared>>
      %dma_wait3A_569 = tpu.memref_slice %arg9[%dma_wait3A_558] : memref<3x!tpu.dma_semaphore, #tpu.memory_space<semaphore_mem>> -> memref<1x!tpu.dma_semaphore, #tpu.memory_space<semaphore_mem>>
      %dma_wait3A_570 = tpu.memref_squeeze %dma_wait3A_569 : memref<1x!tpu.dma_semaphore, #tpu.memory_space<semaphore_mem>> -> memref<!tpu.dma_semaphore, #tpu.memory_space<semaphore_mem>>
      tpu.wait_indirect_dma semaphore(%dma_wait3A_570 : memref<!tpu.dma_semaphore, #tpu.memory_space<semaphore_mem>>) src(%dma_wait3A_568 : memref<10000x128xf32, #tpu.memory_space<vmem_shared>>) dst(%dma_wait3A_562 : memref<128x128xf32, #tpu.memory_space<vmem>>)
      %mul3A_571 = arith.constant 128 : i32
      %mul3A_572 = arith.muli %add3A_555, %mul3A_571 : i32
      %add3A_573 = arith.addi %mul3A_2, %mul3A_572 : i32
      %dma_start3A_574 = arith.constant 1 : i32
      %dma_start3A_575 = arith.constant 1 : i32
      %dma_start3A_576 = arith.constant 0 : i32
      %dma_start3A_577 = arith.constant 0 : i32
      %dma_start3A_578 = tpu.memref_slice %arg6[%dma_start3A_574, %dma_start3A_576, %dma_start3A_577] : memref<3x128x128xf32, #tpu.memory_space<vmem>> -> memref<1x128x128xf32, #tpu.memory_space<vmem>>
      %dma_start3A_579 = tpu.memref_squeeze %dma_start3A_578 : memref<1x128x128xf32, #tpu.memory_space<vmem>> -> memref<128x128xf32, #tpu.memory_space<vmem>>
      %dma_start3A_580 = arith.constant 0 : i32
      %dma_start3A_581 = tpu.memref_slice %arg4[%add3A_573, %dma_start3A_580] : memref<819200x128xf32, #tpu.memory_space<hbm>> -> memref<128x128xf32, #tpu.memory_space<hbm>>
      %dma_start3A_582 = tpu.memref_slice %arg10[%dma_start3A_575] : memref<3x!tpu.dma_semaphore, #tpu.memory_space<semaphore_mem>> -> memref<1x!tpu.dma_semaphore, #tpu.memory_space<semaphore_mem>>
      %dma_start3A_583 = tpu.memref_squeeze %dma_start3A_582 : memref<1x!tpu.dma_semaphore, #tpu.memory_space<semaphore_mem>> -> memref<!tpu.dma_semaphore, #tpu.memory_space<semaphore_mem>>
      %dma_start3A_584 = arith.constant 0 : i32
      %dma_start3A_585 = tpu.memref_slice %arg4[%add3A_573, %dma_start3A_584] : memref<819200x128xf32, #tpu.memory_space<hbm>> -> memref<128x128xf32, #tpu.memory_space<hbm>>
      %dma_start3A_586 = arith.constant 0 : i32
      %dma_start3A_587 = arith.constant 0 : i32
      %dma_start3A_588 = tpu.memref_slice %arg6[%dma_start3A_574, %dma_start3A_586, %dma_start3A_587] : memref<3x128x128xf32, #tpu.memory_space<vmem>> -> memref<1x128x128xf32, #tpu.memory_space<vmem>>
      %dma_start3A_589 = tpu.memref_squeeze %dma_start3A_588 : memref<1x128x128xf32, #tpu.memory_space<vmem>> -> memref<128x128xf32, #tpu.memory_space<vmem>>
      tpu.enqueue_dma source(%dma_start3A_589 : memref<128x128xf32, #tpu.memory_space<vmem>>) target(%dma_start3A_585 : memref<128x128xf32, #tpu.memory_space<hbm>>) target_semaphore(%dma_start3A_583 : memref<!tpu.dma_semaphore, #tpu.memory_space<semaphore_mem>>)
      %add3A_590 = arith.constant 6 : i32
      %add3A_591 = arith.addi %add3A_555, %add3A_590 : i32
      %lt3A_592 = arith.constant 200 : i32
      %lt3A_593 = arith.cmpi slt, %add3A_591, %lt3A_592 : i32
      %convert_element_type3A_594 = arith.extui %lt3A_593 : i1 to i32
      %cond3A_595 = arith.constant 0 : i32
      %cond3A_596 = arith.cmpi ne, %convert_element_type3A_594, %cond3A_595 : i32
      scf.if %cond3A_596 {
        %add3A_656 = arith.constant 6 : i32
        %add3A_657 = arith.addi %add3A_555, %add3A_656 : i32
        %dma_start3A_658 = arith.constant 4 : i32
        %dma_start3A_659 = arith.constant 4 : i32
        %dma_start3A_660 = arith.constant 0 : i32
        %dma_start3A_661 = tpu.memref_slice %arg5[%dma_start3A_658, %dma_start3A_660] : memref<6x128xi32, #tpu.memory_space<vmem>> -> memref<1x128xi32, #tpu.memory_space<vmem>>
        %dma_start3A_662 = tpu.memref_squeeze %dma_start3A_661 : memref<1x128xi32, #tpu.memory_space<vmem>> -> memref<128xi32, #tpu.memory_space<vmem>>
        %dma_start3A_663 = arith.constant 0 : i32
        %dma_start3A_664 = tpu.memref_slice %arg2[%add3A, %add3A_657, %dma_start3A_663] : memref<32x200x128xi32, #tpu.memory_space<hbm>> -> memref<1x1x128xi32, #tpu.memory_space<hbm>>
        %dma_start3A_665 = tpu.memref_squeeze %dma_start3A_664 : memref<1x1x128xi32, #tpu.memory_space<hbm>> -> memref<128xi32, #tpu.memory_space<hbm>>
        %dma_start3A_666 = tpu.memref_slice %arg8[%dma_start3A_659] : memref<6x!tpu.dma_semaphore, #tpu.memory_space<semaphore_mem>> -> memref<1x!tpu.dma_semaphore, #tpu.memory_space<semaphore_mem>>
        %dma_start3A_667 = tpu.memref_squeeze %dma_start3A_666 : memref<1x!tpu.dma_semaphore, #tpu.memory_space<semaphore_mem>> -> memref<!tpu.dma_semaphore, #tpu.memory_space<semaphore_mem>>
        %dma_start3A_668 = arith.constant 0 : i32
        %dma_start3A_669 = tpu.memref_slice %arg5[%dma_start3A_658, %dma_start3A_668] : memref<6x128xi32, #tpu.memory_space<vmem>> -> memref<1x128xi32, #tpu.memory_space<vmem>>
        %dma_start3A_670 = tpu.memref_squeeze %dma_start3A_669 : memref<1x128xi32, #tpu.memory_space<vmem>> -> memref<128xi32, #tpu.memory_space<vmem>>
        %dma_start3A_671 = arith.constant 0 : i32
        %dma_start3A_672 = tpu.memref_slice %arg2[%add3A, %add3A_657, %dma_start3A_671] : memref<32x200x128xi32, #tpu.memory_space<hbm>> -> memref<1x1x128xi32, #tpu.memory_space<hbm>>
        %dma_start3A_673 = tpu.memref_squeeze %dma_start3A_672 : memref<1x1x128xi32, #tpu.memory_space<hbm>> -> memref<128xi32, #tpu.memory_space<hbm>>
        tpu.enqueue_dma source(%dma_start3A_673 : memref<128xi32, #tpu.memory_space<hbm>>) target(%dma_start3A_670 : memref<128xi32, #tpu.memory_space<vmem>>) target_semaphore(%dma_start3A_667 : memref<!tpu.dma_semaphore, #tpu.memory_space<semaphore_mem>>)
      } else {
      }
      %add3A_597 = arith.constant 3 : i32
      %add3A_598 = arith.addi %add3A_555, %add3A_597 : i32
      %lt3A_599 = arith.constant 200 : i32
      %lt3A_600 = arith.cmpi slt, %add3A_598, %lt3A_599 : i32
      %convert_element_type3A_601 = arith.extui %lt3A_600 : i1 to i32
      %cond3A_602 = arith.constant 0 : i32
      %cond3A_603 = arith.cmpi ne, %convert_element_type3A_601, %cond3A_602 : i32
      scf.if %cond3A_603 {
        %mul3A_656 = arith.constant 128 : i32
        %mul3A_657 = arith.muli %add3A_555, %mul3A_656 : i32
        %add3A_658 = arith.addi %mul3A_2, %mul3A_657 : i32
        %dma_wait3A_659 = arith.constant 1 : i32
        %dma_wait3A_660 = arith.constant 1 : i32
        %dma_wait3A_661 = arith.constant 0 : i32
        %dma_wait3A_662 = arith.constant 0 : i32
        %dma_wait3A_663 = tpu.memref_slice %arg6[%dma_wait3A_659, %dma_wait3A_661, %dma_wait3A_662] : memref<3x128x128xf32, #tpu.memory_space<vmem>> -> memref<1x128x128xf32, #tpu.memory_space<vmem>>
        %dma_wait3A_664 = tpu.memref_squeeze %dma_wait3A_663 : memref<1x128x128xf32, #tpu.memory_space<vmem>> -> memref<128x128xf32, #tpu.memory_space<vmem>>
        %dma_wait3A_665 = arith.constant 0 : i32
        %dma_wait3A_666 = tpu.memref_slice %arg4[%add3A_658, %dma_wait3A_665] : memref<819200x128xf32, #tpu.memory_space<hbm>> -> memref<128x128xf32, #tpu.memory_space<hbm>>
        %dma_wait3A_667 = tpu.memref_slice %arg10[%dma_wait3A_660] : memref<3x!tpu.dma_semaphore, #tpu.memory_space<semaphore_mem>> -> memref<1x!tpu.dma_semaphore, #tpu.memory_space<semaphore_mem>>
        %dma_wait3A_668 = tpu.memref_squeeze %dma_wait3A_667 : memref<1x!tpu.dma_semaphore, #tpu.memory_space<semaphore_mem>> -> memref<!tpu.dma_semaphore, #tpu.memory_space<semaphore_mem>>
        %dma_wait3A_669 = arith.constant 0 : i32
        %dma_wait3A_670 = tpu.memref_slice %arg4[%add3A_658, %dma_wait3A_669] : memref<819200x128xf32, #tpu.memory_space<hbm>> -> memref<128x128xf32, #tpu.memory_space<hbm>>
        %dma_wait3A_671 = arith.constant 0 : i32
        %dma_wait3A_672 = arith.constant 0 : i32
        %dma_wait3A_673 = tpu.memref_slice %arg6[%dma_wait3A_659, %dma_wait3A_671, %dma_wait3A_672] : memref<3x128x128xf32, #tpu.memory_space<vmem>> -> memref<1x128x128xf32, #tpu.memory_space<vmem>>
        %dma_wait3A_674 = tpu.memref_squeeze %dma_wait3A_673 : memref<1x128x128xf32, #tpu.memory_space<vmem>> -> memref<128x128xf32, #tpu.memory_space<vmem>>
        tpu.wait_dma2 semaphore(%dma_wait3A_668 : memref<!tpu.dma_semaphore, #tpu.memory_space<semaphore_mem>>) src(%dma_wait3A_674 : memref<128x128xf32, #tpu.memory_space<vmem>>) dst(%dma_wait3A_670 : memref<128x128xf32, #tpu.memory_space<hbm>>)
        %add3A_675 = arith.constant 3 : i32
        %add3A_676 = arith.addi %add3A_555, %add3A_675 : i32
        %dma_wait3A_677 = arith.constant 1 : i32
        %dma_wait3A_678 = arith.constant 1 : i32
        %dma_wait3A_679 = arith.constant 0 : i32
        %dma_wait3A_680 = tpu.memref_slice %arg5[%dma_wait3A_677, %dma_wait3A_679] : memref<6x128xi32, #tpu.memory_space<vmem>> -> memref<1x128xi32, #tpu.memory_space<vmem>>
        %dma_wait3A_681 = tpu.memref_squeeze %dma_wait3A_680 : memref<1x128xi32, #tpu.memory_space<vmem>> -> memref<128xi32, #tpu.memory_space<vmem>>
        %dma_wait3A_682 = arith.constant 0 : i32
        %dma_wait3A_683 = tpu.memref_slice %arg2[%add3A, %add3A_676, %dma_wait3A_682] : memref<32x200x128xi32, #tpu.memory_space<hbm>> -> memref<1x1x128xi32, #tpu.memory_space<hbm>>
        %dma_wait3A_684 = tpu.memref_squeeze %dma_wait3A_683 : memref<1x1x128xi32, #tpu.memory_space<hbm>> -> memref<128xi32, #tpu.memory_space<hbm>>
        %dma_wait3A_685 = tpu.memref_slice %arg8[%dma_wait3A_678] : memref<6x!tpu.dma_semaphore, #tpu.memory_space<semaphore_mem>> -> memref<1x!tpu.dma_semaphore, #tpu.memory_space<semaphore_mem>>
        %dma_wait3A_686 = tpu.memref_squeeze %dma_wait3A_685 : memref<1x!tpu.dma_semaphore, #tpu.memory_space<semaphore_mem>> -> memref<!tpu.dma_semaphore, #tpu.memory_space<semaphore_mem>>
        %dma_wait3A_687 = arith.constant 0 : i32
        %dma_wait3A_688 = tpu.memref_slice %arg5[%dma_wait3A_677, %dma_wait3A_687] : memref<6x128xi32, #tpu.memory_space<vmem>> -> memref<1x128xi32, #tpu.memory_space<vmem>>
        %dma_wait3A_689 = tpu.memref_squeeze %dma_wait3A_688 : memref<1x128xi32, #tpu.memory_space<vmem>> -> memref<128xi32, #tpu.memory_space<vmem>>
        %dma_wait3A_690 = arith.constant 0 : i32
        %dma_wait3A_691 = tpu.memref_slice %arg2[%add3A, %add3A_676, %dma_wait3A_690] : memref<32x200x128xi32, #tpu.memory_space<hbm>> -> memref<1x1x128xi32, #tpu.memory_space<hbm>>
        %dma_wait3A_692 = tpu.memref_squeeze %dma_wait3A_691 : memref<1x1x128xi32, #tpu.memory_space<hbm>> -> memref<128xi32, #tpu.memory_space<hbm>>
        tpu.wait_dma2 semaphore(%dma_wait3A_686 : memref<!tpu.dma_semaphore, #tpu.memory_space<semaphore_mem>>) src(%dma_wait3A_692 : memref<128xi32, #tpu.memory_space<hbm>>) dst(%dma_wait3A_689 : memref<128xi32, #tpu.memory_space<vmem>>)
        %dma_start3A_693 = arith.constant 1 : i32
        %dma_start3A_694 = arith.constant 1 : i32
        %dma_start3A_695 = arith.constant 1 : i32
        %dma_start3A_696 = arith.constant 0 : i32
        %dma_start3A_697 = arith.constant 0 : i32
        %dma_start3A_698 = tpu.memref_slice %arg6[%dma_start3A_694, %dma_start3A_696, %dma_start3A_697] : memref<3x128x128xf32, #tpu.memory_space<vmem>> -> memref<1x128x128xf32, #tpu.memory_space<vmem>>
        %dma_start3A_699 = tpu.memref_squeeze %dma_start3A_698 : memref<1x128x128xf32, #tpu.memory_space<vmem>> -> memref<128x128xf32, #tpu.memory_space<vmem>>
        %dma_start3A_700 = arith.constant 0 : i32
        %dma_start3A_701 = tpu.memref_slice %arg5[%dma_start3A_693, %dma_start3A_700] : memref<6x128xi32, #tpu.memory_space<vmem>> -> memref<1x128xi32, #tpu.memory_space<vmem>>
        %dma_start3A_702 = tpu.memref_squeeze %dma_start3A_701 : memref<1x128xi32, #tpu.memory_space<vmem>> -> memref<128xi32, #tpu.memory_space<vmem>>
        %dma_start3A_703 = arith.constant 0 : i32
        %dma_start3A_704 = arith.constant 0 : i32
        %dma_start3A_705 = tpu.memref_slice %arg7[%dma_start3A_703, %dma_start3A_704] : memref<10000x128xf32, #tpu.memory_space<vmem_shared>> -> memref<10000x128xf32, #tpu.memory_space<vmem_shared>>
        %dma_start3A_706 = tpu.memref_slice %arg9[%dma_start3A_695] : memref<3x!tpu.dma_semaphore, #tpu.memory_space<semaphore_mem>> -> memref<1x!tpu.dma_semaphore, #tpu.memory_space<semaphore_mem>>
        %dma_start3A_707 = tpu.memref_squeeze %dma_start3A_706 : memref<1x!tpu.dma_semaphore, #tpu.memory_space<semaphore_mem>> -> memref<!tpu.dma_semaphore, #tpu.memory_space<semaphore_mem>>
        tpu.enqueue_indirect_dma source(%dma_start3A_705 : memref<10000x128xf32, #tpu.memory_space<vmem_shared>>) target(%dma_start3A_699 : memref<128x128xf32, #tpu.memory_space<vmem>>) offsets(%dma_start3A_702 : memref<128xi32, #tpu.memory_space<vmem>>) semaphore(%dma_start3A_707 : memref<!tpu.dma_semaphore, #tpu.memory_space<semaphore_mem>>)
      } else {
      }
      %mul3A_604 = arith.constant 6 : i32
      %mul3A_605 = arith.muli %add3A_343, %mul3A_604 : i32
      %add3A_606 = arith.constant 5 : i32
      %add3A_607 = arith.addi %mul3A_605, %add3A_606 : i32
      %dma_wait3A_608 = arith.constant 5 : i32
      %dma_wait3A_609 = arith.constant 2 : i32
      %dma_wait3A_610 = arith.constant 2 : i32
      %dma_wait3A_611 = arith.constant 0 : i32
      %dma_wait3A_612 = arith.constant 0 : i32
      %dma_wait3A_613 = tpu.memref_slice %arg6[%dma_wait3A_609, %dma_wait3A_611, %dma_wait3A_612] : memref<3x128x128xf32, #tpu.memory_space<vmem>> -> memref<1x128x128xf32, #tpu.memory_space<vmem>>
      %dma_wait3A_614 = tpu.memref_squeeze %dma_wait3A_613 : memref<1x128x128xf32, #tpu.memory_space<vmem>> -> memref<128x128xf32, #tpu.memory_space<vmem>>
      %dma_wait3A_615 = arith.constant 0 : i32
      %dma_wait3A_616 = tpu.memref_slice %arg5[%dma_wait3A_608, %dma_wait3A_615] : memref<6x128xi32, #tpu.memory_space<vmem>> -> memref<1x128xi32, #tpu.memory_space<vmem>>
      %dma_wait3A_617 = tpu.memref_squeeze %dma_wait3A_616 : memref<1x128xi32, #tpu.memory_space<vmem>> -> memref<128xi32, #tpu.memory_space<vmem>>
      %dma_wait3A_618 = arith.constant 0 : i32
      %dma_wait3A_619 = arith.constant 0 : i32
      %dma_wait3A_620 = tpu.memref_slice %arg7[%dma_wait3A_618, %dma_wait3A_619] : memref<10000x128xf32, #tpu.memory_space<vmem_shared>> -> memref<10000x128xf32, #tpu.memory_space<vmem_shared>>
      %dma_wait3A_621 = tpu.memref_slice %arg9[%dma_wait3A_610] : memref<3x!tpu.dma_semaphore, #tpu.memory_space<semaphore_mem>> -> memref<1x!tpu.dma_semaphore, #tpu.memory_space<semaphore_mem>>
      %dma_wait3A_622 = tpu.memref_squeeze %dma_wait3A_621 : memref<1x!tpu.dma_semaphore, #tpu.memory_space<semaphore_mem>> -> memref<!tpu.dma_semaphore, #tpu.memory_space<semaphore_mem>>
      tpu.wait_indirect_dma semaphore(%dma_wait3A_622 : memref<!tpu.dma_semaphore, #tpu.memory_space<semaphore_mem>>) src(%dma_wait3A_620 : memref<10000x128xf32, #tpu.memory_space<vmem_shared>>) dst(%dma_wait3A_614 : memref<128x128xf32, #tpu.memory_space<vmem>>)
      %mul3A_623 = arith.constant 128 : i32
      %mul3A_624 = arith.muli %add3A_607, %mul3A_623 : i32
      %add3A_625 = arith.addi %mul3A_2, %mul3A_624 : i32
      %dma_start3A_626 = arith.constant 2 : i32
      %dma_start3A_627 = arith.constant 2 : i32
      %dma_start3A_628 = arith.constant 0 : i32
      %dma_start3A_629 = arith.constant 0 : i32
      %dma_start3A_630 = tpu.memref_slice %arg6[%dma_start3A_626, %dma_start3A_628, %dma_start3A_629] : memref<3x128x128xf32, #tpu.memory_space<vmem>> -> memref<1x128x128xf32, #tpu.memory_space<vmem>>
      %dma_start3A_631 = tpu.memref_squeeze %dma_start3A_630 : memref<1x128x128xf32, #tpu.memory_space<vmem>> -> memref<128x128xf32, #tpu.memory_space<vmem>>
      %dma_start3A_632 = arith.constant 0 : i32
      %dma_start3A_633 = tpu.memref_slice %arg4[%add3A_625, %dma_start3A_632] : memref<819200x128xf32, #tpu.memory_space<hbm>> -> memref<128x128xf32, #tpu.memory_space<hbm>>
      %dma_start3A_634 = tpu.memref_slice %arg10[%dma_start3A_627] : memref<3x!tpu.dma_semaphore, #tpu.memory_space<semaphore_mem>> -> memref<1x!tpu.dma_semaphore, #tpu.memory_space<semaphore_mem>>
      %dma_start3A_635 = tpu.memref_squeeze %dma_start3A_634 : memref<1x!tpu.dma_semaphore, #tpu.memory_space<semaphore_mem>> -> memref<!tpu.dma_semaphore, #tpu.memory_space<semaphore_mem>>
      %dma_start3A_636 = arith.constant 0 : i32
      %dma_start3A_637 = tpu.memref_slice %arg4[%add3A_625, %dma_start3A_636] : memref<819200x128xf32, #tpu.memory_space<hbm>> -> memref<128x128xf32, #tpu.memory_space<hbm>>
      %dma_start3A_638 = arith.constant 0 : i32
      %dma_start3A_639 = arith.constant 0 : i32
      %dma_start3A_640 = tpu.memref_slice %arg6[%dma_start3A_626, %dma_start3A_638, %dma_start3A_639] : memref<3x128x128xf32, #tpu.memory_space<vmem>> -> memref<1x128x128xf32, #tpu.memory_space<vmem>>
      %dma_start3A_641 = tpu.memref_squeeze %dma_start3A_640 : memref<1x128x128xf32, #tpu.memory_space<vmem>> -> memref<128x128xf32, #tpu.memory_space<vmem>>
      tpu.enqueue_dma source(%dma_start3A_641 : memref<128x128xf32, #tpu.memory_space<vmem>>) target(%dma_start3A_637 : memref<128x128xf32, #tpu.memory_space<hbm>>) target_semaphore(%dma_start3A_635 : memref<!tpu.dma_semaphore, #tpu.memory_space<semaphore_mem>>)
      %add3A_642 = arith.constant 6 : i32
      %add3A_643 = arith.addi %add3A_607, %add3A_642 : i32
      %lt3A_644 = arith.constant 200 : i32
      %lt3A_645 = arith.cmpi slt, %add3A_643, %lt3A_644 : i32
      %convert_element_type3A_646 = arith.extui %lt3A_645 : i1 to i32
      %cond3A_647 = arith.constant 0 : i32
      %cond3A_648 = arith.cmpi ne, %convert_element_type3A_646, %cond3A_647 : i32
      scf.if %cond3A_648 {
        %add3A_656 = arith.constant 6 : i32
        %add3A_657 = arith.addi %add3A_607, %add3A_656 : i32
        %dma_start3A_658 = arith.constant 5 : i32
        %dma_start3A_659 = arith.constant 5 : i32
        %dma_start3A_660 = arith.constant 0 : i32
        %dma_start3A_661 = tpu.memref_slice %arg5[%dma_start3A_658, %dma_start3A_660] : memref<6x128xi32, #tpu.memory_space<vmem>> -> memref<1x128xi32, #tpu.memory_space<vmem>>
        %dma_start3A_662 = tpu.memref_squeeze %dma_start3A_661 : memref<1x128xi32, #tpu.memory_space<vmem>> -> memref<128xi32, #tpu.memory_space<vmem>>
        %dma_start3A_663 = arith.constant 0 : i32
        %dma_start3A_664 = tpu.memref_slice %arg2[%add3A, %add3A_657, %dma_start3A_663] : memref<32x200x128xi32, #tpu.memory_space<hbm>> -> memref<1x1x128xi32, #tpu.memory_space<hbm>>
        %dma_start3A_665 = tpu.memref_squeeze %dma_start3A_664 : memref<1x1x128xi32, #tpu.memory_space<hbm>> -> memref<128xi32, #tpu.memory_space<hbm>>
        %dma_start3A_666 = tpu.memref_slice %arg8[%dma_start3A_659] : memref<6x!tpu.dma_semaphore, #tpu.memory_space<semaphore_mem>> -> memref<1x!tpu.dma_semaphore, #tpu.memory_space<semaphore_mem>>
        %dma_start3A_667 = tpu.memref_squeeze %dma_start3A_666 : memref<1x!tpu.dma_semaphore, #tpu.memory_space<semaphore_mem>> -> memref<!tpu.dma_semaphore, #tpu.memory_space<semaphore_mem>>
        %dma_start3A_668 = arith.constant 0 : i32
        %dma_start3A_669 = tpu.memref_slice %arg5[%dma_start3A_658, %dma_start3A_668] : memref<6x128xi32, #tpu.memory_space<vmem>> -> memref<1x128xi32, #tpu.memory_space<vmem>>
        %dma_start3A_670 = tpu.memref_squeeze %dma_start3A_669 : memref<1x128xi32, #tpu.memory_space<vmem>> -> memref<128xi32, #tpu.memory_space<vmem>>
        %dma_start3A_671 = arith.constant 0 : i32
        %dma_start3A_672 = tpu.memref_slice %arg2[%add3A, %add3A_657, %dma_start3A_671] : memref<32x200x128xi32, #tpu.memory_space<hbm>> -> memref<1x1x128xi32, #tpu.memory_space<hbm>>
        %dma_start3A_673 = tpu.memref_squeeze %dma_start3A_672 : memref<1x1x128xi32, #tpu.memory_space<hbm>> -> memref<128xi32, #tpu.memory_space<hbm>>
        tpu.enqueue_dma source(%dma_start3A_673 : memref<128xi32, #tpu.memory_space<hbm>>) target(%dma_start3A_670 : memref<128xi32, #tpu.memory_space<vmem>>) target_semaphore(%dma_start3A_667 : memref<!tpu.dma_semaphore, #tpu.memory_space<semaphore_mem>>)
      } else {
      }
      %add3A_649 = arith.constant 3 : i32
      %add3A_650 = arith.addi %add3A_607, %add3A_649 : i32
      %lt3A_651 = arith.constant 200 : i32
      %lt3A_652 = arith.cmpi slt, %add3A_650, %lt3A_651 : i32
      %convert_element_type3A_653 = arith.extui %lt3A_652 : i1 to i32
      %cond3A_654 = arith.constant 0 : i32
      %cond3A_655 = arith.cmpi ne, %convert_element_type3A_653, %cond3A_654 : i32
      scf.if %cond3A_655 {
        %mul3A_656 = arith.constant 128 : i32
        %mul3A_657 = arith.muli %add3A_607, %mul3A_656 : i32
        %add3A_658 = arith.addi %mul3A_2, %mul3A_657 : i32
        %dma_wait3A_659 = arith.constant 2 : i32
        %dma_wait3A_660 = arith.constant 2 : i32
        %dma_wait3A_661 = arith.constant 0 : i32
        %dma_wait3A_662 = arith.constant 0 : i32
        %dma_wait3A_663 = tpu.memref_slice %arg6[%dma_wait3A_659, %dma_wait3A_661, %dma_wait3A_662] : memref<3x128x128xf32, #tpu.memory_space<vmem>> -> memref<1x128x128xf32, #tpu.memory_space<vmem>>
        %dma_wait3A_664 = tpu.memref_squeeze %dma_wait3A_663 : memref<1x128x128xf32, #tpu.memory_space<vmem>> -> memref<128x128xf32, #tpu.memory_space<vmem>>
        %dma_wait3A_665 = arith.constant 0 : i32
        %dma_wait3A_666 = tpu.memref_slice %arg4[%add3A_658, %dma_wait3A_665] : memref<819200x128xf32, #tpu.memory_space<hbm>> -> memref<128x128xf32, #tpu.memory_space<hbm>>
        %dma_wait3A_667 = tpu.memref_slice %arg10[%dma_wait3A_660] : memref<3x!tpu.dma_semaphore, #tpu.memory_space<semaphore_mem>> -> memref<1x!tpu.dma_semaphore, #tpu.memory_space<semaphore_mem>>
        %dma_wait3A_668 = tpu.memref_squeeze %dma_wait3A_667 : memref<1x!tpu.dma_semaphore, #tpu.memory_space<semaphore_mem>> -> memref<!tpu.dma_semaphore, #tpu.memory_space<semaphore_mem>>
        %dma_wait3A_669 = arith.constant 0 : i32
        %dma_wait3A_670 = tpu.memref_slice %arg4[%add3A_658, %dma_wait3A_669] : memref<819200x128xf32, #tpu.memory_space<hbm>> -> memref<128x128xf32, #tpu.memory_space<hbm>>
        %dma_wait3A_671 = arith.constant 0 : i32
        %dma_wait3A_672 = arith.constant 0 : i32
        %dma_wait3A_673 = tpu.memref_slice %arg6[%dma_wait3A_659, %dma_wait3A_671, %dma_wait3A_672] : memref<3x128x128xf32, #tpu.memory_space<vmem>> -> memref<1x128x128xf32, #tpu.memory_space<vmem>>
        %dma_wait3A_674 = tpu.memref_squeeze %dma_wait3A_673 : memref<1x128x128xf32, #tpu.memory_space<vmem>> -> memref<128x128xf32, #tpu.memory_space<vmem>>
        tpu.wait_dma2 semaphore(%dma_wait3A_668 : memref<!tpu.dma_semaphore, #tpu.memory_space<semaphore_mem>>) src(%dma_wait3A_674 : memref<128x128xf32, #tpu.memory_space<vmem>>) dst(%dma_wait3A_670 : memref<128x128xf32, #tpu.memory_space<hbm>>)
        %add3A_675 = arith.constant 3 : i32
        %add3A_676 = arith.addi %add3A_607, %add3A_675 : i32
        %dma_wait3A_677 = arith.constant 2 : i32
        %dma_wait3A_678 = arith.constant 2 : i32
        %dma_wait3A_679 = arith.constant 0 : i32
        %dma_wait3A_680 = tpu.memref_slice %arg5[%dma_wait3A_677, %dma_wait3A_679] : memref<6x128xi32, #tpu.memory_space<vmem>> -> memref<1x128xi32, #tpu.memory_space<vmem>>
        %dma_wait3A_681 = tpu.memref_squeeze %dma_wait3A_680 : memref<1x128xi32, #tpu.memory_space<vmem>> -> memref<128xi32, #tpu.memory_space<vmem>>
        %dma_wait3A_682 = arith.constant 0 : i32
        %dma_wait3A_683 = tpu.memref_slice %arg2[%add3A, %add3A_676, %dma_wait3A_682] : memref<32x200x128xi32, #tpu.memory_space<hbm>> -> memref<1x1x128xi32, #tpu.memory_space<hbm>>
        %dma_wait3A_684 = tpu.memref_squeeze %dma_wait3A_683 : memref<1x1x128xi32, #tpu.memory_space<hbm>> -> memref<128xi32, #tpu.memory_space<hbm>>
        %dma_wait3A_685 = tpu.memref_slice %arg8[%dma_wait3A_678] : memref<6x!tpu.dma_semaphore, #tpu.memory_space<semaphore_mem>> -> memref<1x!tpu.dma_semaphore, #tpu.memory_space<semaphore_mem>>
        %dma_wait3A_686 = tpu.memref_squeeze %dma_wait3A_685 : memref<1x!tpu.dma_semaphore, #tpu.memory_space<semaphore_mem>> -> memref<!tpu.dma_semaphore, #tpu.memory_space<semaphore_mem>>
        %dma_wait3A_687 = arith.constant 0 : i32
        %dma_wait3A_688 = tpu.memref_slice %arg5[%dma_wait3A_677, %dma_wait3A_687] : memref<6x128xi32, #tpu.memory_space<vmem>> -> memref<1x128xi32, #tpu.memory_space<vmem>>
        %dma_wait3A_689 = tpu.memref_squeeze %dma_wait3A_688 : memref<1x128xi32, #tpu.memory_space<vmem>> -> memref<128xi32, #tpu.memory_space<vmem>>
        %dma_wait3A_690 = arith.constant 0 : i32
        %dma_wait3A_691 = tpu.memref_slice %arg2[%add3A, %add3A_676, %dma_wait3A_690] : memref<32x200x128xi32, #tpu.memory_space<hbm>> -> memref<1x1x128xi32, #tpu.memory_space<hbm>>
        %dma_wait3A_692 = tpu.memref_squeeze %dma_wait3A_691 : memref<1x1x128xi32, #tpu.memory_space<hbm>> -> memref<128xi32, #tpu.memory_space<hbm>>
        tpu.wait_dma2 semaphore(%dma_wait3A_686 : memref<!tpu.dma_semaphore, #tpu.memory_space<semaphore_mem>>) src(%dma_wait3A_692 : memref<128xi32, #tpu.memory_space<hbm>>) dst(%dma_wait3A_689 : memref<128xi32, #tpu.memory_space<vmem>>)
        %dma_start3A_693 = arith.constant 2 : i32
        %dma_start3A_694 = arith.constant 2 : i32
        %dma_start3A_695 = arith.constant 2 : i32
        %dma_start3A_696 = arith.constant 0 : i32
        %dma_start3A_697 = arith.constant 0 : i32
        %dma_start3A_698 = tpu.memref_slice %arg6[%dma_start3A_694, %dma_start3A_696, %dma_start3A_697] : memref<3x128x128xf32, #tpu.memory_space<vmem>> -> memref<1x128x128xf32, #tpu.memory_space<vmem>>
        %dma_start3A_699 = tpu.memref_squeeze %dma_start3A_698 : memref<1x128x128xf32, #tpu.memory_space<vmem>> -> memref<128x128xf32, #tpu.memory_space<vmem>>
        %dma_start3A_700 = arith.constant 0 : i32
        %dma_start3A_701 = tpu.memref_slice %arg5[%dma_start3A_693, %dma_start3A_700] : memref<6x128xi32, #tpu.memory_space<vmem>> -> memref<1x128xi32, #tpu.memory_space<vmem>>
        %dma_start3A_702 = tpu.memref_squeeze %dma_start3A_701 : memref<1x128xi32, #tpu.memory_space<vmem>> -> memref<128xi32, #tpu.memory_space<vmem>>
        %dma_start3A_703 = arith.constant 0 : i32
        %dma_start3A_704 = arith.constant 0 : i32
        %dma_start3A_705 = tpu.memref_slice %arg7[%dma_start3A_703, %dma_start3A_704] : memref<10000x128xf32, #tpu.memory_space<vmem_shared>> -> memref<10000x128xf32, #tpu.memory_space<vmem_shared>>
        %dma_start3A_706 = tpu.memref_slice %arg9[%dma_start3A_695] : memref<3x!tpu.dma_semaphore, #tpu.memory_space<semaphore_mem>> -> memref<1x!tpu.dma_semaphore, #tpu.memory_space<semaphore_mem>>
        %dma_start3A_707 = tpu.memref_squeeze %dma_start3A_706 : memref<1x!tpu.dma_semaphore, #tpu.memory_space<semaphore_mem>> -> memref<!tpu.dma_semaphore, #tpu.memory_space<semaphore_mem>>
        tpu.enqueue_indirect_dma source(%dma_start3A_705 : memref<10000x128xf32, #tpu.memory_space<vmem_shared>>) target(%dma_start3A_699 : memref<128x128xf32, #tpu.memory_space<vmem>>) offsets(%dma_start3A_702 : memref<128xi32, #tpu.memory_space<vmem>>) semaphore(%dma_start3A_707 : memref<!tpu.dma_semaphore, #tpu.memory_space<semaphore_mem>>)
      } else {
      }
    }
    %scan3A_218 = arith.constant 33 : i32
    %dma_wait3A_219 = arith.constant 0 : i32
    %dma_wait3A_220 = arith.constant 0 : i32
    %dma_wait3A_221 = arith.constant 0 : i32
    %dma_wait3A_222 = arith.constant 0 : i32
    %dma_wait3A_223 = arith.constant 0 : i32
    %dma_wait3A_224 = tpu.memref_slice %arg6[%dma_wait3A_220, %dma_wait3A_222, %dma_wait3A_223] : memref<3x128x128xf32, #tpu.memory_space<vmem>> -> memref<1x128x128xf32, #tpu.memory_space<vmem>>
    %dma_wait3A_225 = tpu.memref_squeeze %dma_wait3A_224 : memref<1x128x128xf32, #tpu.memory_space<vmem>> -> memref<128x128xf32, #tpu.memory_space<vmem>>
    %dma_wait3A_226 = arith.constant 0 : i32
    %dma_wait3A_227 = tpu.memref_slice %arg5[%dma_wait3A_219, %dma_wait3A_226] : memref<6x128xi32, #tpu.memory_space<vmem>> -> memref<1x128xi32, #tpu.memory_space<vmem>>
    %dma_wait3A_228 = tpu.memref_squeeze %dma_wait3A_227 : memref<1x128xi32, #tpu.memory_space<vmem>> -> memref<128xi32, #tpu.memory_space<vmem>>
    %dma_wait3A_229 = arith.constant 0 : i32
    %dma_wait3A_230 = arith.constant 0 : i32
    %dma_wait3A_231 = tpu.memref_slice %arg7[%dma_wait3A_229, %dma_wait3A_230] : memref<10000x128xf32, #tpu.memory_space<vmem_shared>> -> memref<10000x128xf32, #tpu.memory_space<vmem_shared>>
    %dma_wait3A_232 = tpu.memref_slice %arg9[%dma_wait3A_221] : memref<3x!tpu.dma_semaphore, #tpu.memory_space<semaphore_mem>> -> memref<1x!tpu.dma_semaphore, #tpu.memory_space<semaphore_mem>>
    %dma_wait3A_233 = tpu.memref_squeeze %dma_wait3A_232 : memref<1x!tpu.dma_semaphore, #tpu.memory_space<semaphore_mem>> -> memref<!tpu.dma_semaphore, #tpu.memory_space<semaphore_mem>>
    tpu.wait_indirect_dma semaphore(%dma_wait3A_233 : memref<!tpu.dma_semaphore, #tpu.memory_space<semaphore_mem>>) src(%dma_wait3A_231 : memref<10000x128xf32, #tpu.memory_space<vmem_shared>>) dst(%dma_wait3A_225 : memref<128x128xf32, #tpu.memory_space<vmem>>)
    %add3A_234 = arith.constant 25344 : i32
    %add3A_235 = arith.addi %mul3A_2, %add3A_234 : i32
    %dma_start3A_236 = arith.constant 0 : i32
    %dma_start3A_237 = arith.constant 0 : i32
    %dma_start3A_238 = arith.constant 0 : i32
    %dma_start3A_239 = arith.constant 0 : i32
    %dma_start3A_240 = tpu.memref_slice %arg6[%dma_start3A_236, %dma_start3A_238, %dma_start3A_239] : memref<3x128x128xf32, #tpu.memory_space<vmem>> -> memref<1x128x128xf32, #tpu.memory_space<vmem>>
    %dma_start3A_241 = tpu.memref_squeeze %dma_start3A_240 : memref<1x128x128xf32, #tpu.memory_space<vmem>> -> memref<128x128xf32, #tpu.memory_space<vmem>>
    %dma_start3A_242 = arith.constant 0 : i32
    %dma_start3A_243 = tpu.memref_slice %arg4[%add3A_235, %dma_start3A_242] : memref<819200x128xf32, #tpu.memory_space<hbm>> -> memref<128x128xf32, #tpu.memory_space<hbm>>
    %dma_start3A_244 = tpu.memref_slice %arg10[%dma_start3A_237] : memref<3x!tpu.dma_semaphore, #tpu.memory_space<semaphore_mem>> -> memref<1x!tpu.dma_semaphore, #tpu.memory_space<semaphore_mem>>
    %dma_start3A_245 = tpu.memref_squeeze %dma_start3A_244 : memref<1x!tpu.dma_semaphore, #tpu.memory_space<semaphore_mem>> -> memref<!tpu.dma_semaphore, #tpu.memory_space<semaphore_mem>>
    %dma_start3A_246 = arith.constant 0 : i32
    %dma_start3A_247 = tpu.memref_slice %arg4[%add3A_235, %dma_start3A_246] : memref<819200x128xf32, #tpu.memory_space<hbm>> -> memref<128x128xf32, #tpu.memory_space<hbm>>
    %dma_start3A_248 = arith.constant 0 : i32
    %dma_start3A_249 = arith.constant 0 : i32
    %dma_start3A_250 = tpu.memref_slice %arg6[%dma_start3A_236, %dma_start3A_248, %dma_start3A_249] : memref<3x128x128xf32, #tpu.memory_space<vmem>> -> memref<1x128x128xf32, #tpu.memory_space<vmem>>
    %dma_start3A_251 = tpu.memref_squeeze %dma_start3A_250 : memref<1x128x128xf32, #tpu.memory_space<vmem>> -> memref<128x128xf32, #tpu.memory_space<vmem>>
    tpu.enqueue_dma source(%dma_start3A_251 : memref<128x128xf32, #tpu.memory_space<vmem>>) target(%dma_start3A_247 : memref<128x128xf32, #tpu.memory_space<hbm>>) target_semaphore(%dma_start3A_245 : memref<!tpu.dma_semaphore, #tpu.memory_space<semaphore_mem>>)
    %dma_wait3A_252 = arith.constant 1 : i32
    %dma_wait3A_253 = arith.constant 1 : i32
    %dma_wait3A_254 = arith.constant 1 : i32
    %dma_wait3A_255 = arith.constant 0 : i32
    %dma_wait3A_256 = arith.constant 0 : i32
    %dma_wait3A_257 = tpu.memref_slice %arg6[%dma_wait3A_253, %dma_wait3A_255, %dma_wait3A_256] : memref<3x128x128xf32, #tpu.memory_space<vmem>> -> memref<1x128x128xf32, #tpu.memory_space<vmem>>
    %dma_wait3A_258 = tpu.memref_squeeze %dma_wait3A_257 : memref<1x128x128xf32, #tpu.memory_space<vmem>> -> memref<128x128xf32, #tpu.memory_space<vmem>>
    %dma_wait3A_259 = arith.constant 0 : i32
    %dma_wait3A_260 = tpu.memref_slice %arg5[%dma_wait3A_252, %dma_wait3A_259] : memref<6x128xi32, #tpu.memory_space<vmem>> -> memref<1x128xi32, #tpu.memory_space<vmem>>
    %dma_wait3A_261 = tpu.memref_squeeze %dma_wait3A_260 : memref<1x128xi32, #tpu.memory_space<vmem>> -> memref<128xi32, #tpu.memory_space<vmem>>
    %dma_wait3A_262 = arith.constant 0 : i32
    %dma_wait3A_263 = arith.constant 0 : i32
    %dma_wait3A_264 = tpu.memref_slice %arg7[%dma_wait3A_262, %dma_wait3A_263] : memref<10000x128xf32, #tpu.memory_space<vmem_shared>> -> memref<10000x128xf32, #tpu.memory_space<vmem_shared>>
    %dma_wait3A_265 = tpu.memref_slice %arg9[%dma_wait3A_254] : memref<3x!tpu.dma_semaphore, #tpu.memory_space<semaphore_mem>> -> memref<1x!tpu.dma_semaphore, #tpu.memory_space<semaphore_mem>>
    %dma_wait3A_266 = tpu.memref_squeeze %dma_wait3A_265 : memref<1x!tpu.dma_semaphore, #tpu.memory_space<semaphore_mem>> -> memref<!tpu.dma_semaphore, #tpu.memory_space<semaphore_mem>>
    tpu.wait_indirect_dma semaphore(%dma_wait3A_266 : memref<!tpu.dma_semaphore, #tpu.memory_space<semaphore_mem>>) src(%dma_wait3A_264 : memref<10000x128xf32, #tpu.memory_space<vmem_shared>>) dst(%dma_wait3A_258 : memref<128x128xf32, #tpu.memory_space<vmem>>)
    %add3A_267 = arith.constant 25472 : i32
    %add3A_268 = arith.addi %mul3A_2, %add3A_267 : i32
    %dma_start3A_269 = arith.constant 1 : i32
    %dma_start3A_270 = arith.constant 1 : i32
    %dma_start3A_271 = arith.constant 0 : i32
    %dma_start3A_272 = arith.constant 0 : i32
    %dma_start3A_273 = tpu.memref_slice %arg6[%dma_start3A_269, %dma_start3A_271, %dma_start3A_272] : memref<3x128x128xf32, #tpu.memory_space<vmem>> -> memref<1x128x128xf32, #tpu.memory_space<vmem>>
    %dma_start3A_274 = tpu.memref_squeeze %dma_start3A_273 : memref<1x128x128xf32, #tpu.memory_space<vmem>> -> memref<128x128xf32, #tpu.memory_space<vmem>>
    %dma_start3A_275 = arith.constant 0 : i32
    %dma_start3A_276 = tpu.memref_slice %arg4[%add3A_268, %dma_start3A_275] : memref<819200x128xf32, #tpu.memory_space<hbm>> -> memref<128x128xf32, #tpu.memory_space<hbm>>
    %dma_start3A_277 = tpu.memref_slice %arg10[%dma_start3A_270] : memref<3x!tpu.dma_semaphore, #tpu.memory_space<semaphore_mem>> -> memref<1x!tpu.dma_semaphore, #tpu.memory_space<semaphore_mem>>
    %dma_start3A_278 = tpu.memref_squeeze %dma_start3A_277 : memref<1x!tpu.dma_semaphore, #tpu.memory_space<semaphore_mem>> -> memref<!tpu.dma_semaphore, #tpu.memory_space<semaphore_mem>>
    %dma_start3A_279 = arith.constant 0 : i32
    %dma_start3A_280 = tpu.memref_slice %arg4[%add3A_268, %dma_start3A_279] : memref<819200x128xf32, #tpu.memory_space<hbm>> -> memref<128x128xf32, #tpu.memory_space<hbm>>
    %dma_start3A_281 = arith.constant 0 : i32
    %dma_start3A_282 = arith.constant 0 : i32
    %dma_start3A_283 = tpu.memref_slice %arg6[%dma_start3A_269, %dma_start3A_281, %dma_start3A_282] : memref<3x128x128xf32, #tpu.memory_space<vmem>> -> memref<1x128x128xf32, #tpu.memory_space<vmem>>
    %dma_start3A_284 = tpu.memref_squeeze %dma_start3A_283 : memref<1x128x128xf32, #tpu.memory_space<vmem>> -> memref<128x128xf32, #tpu.memory_space<vmem>>
    tpu.enqueue_dma source(%dma_start3A_284 : memref<128x128xf32, #tpu.memory_space<vmem>>) target(%dma_start3A_280 : memref<128x128xf32, #tpu.memory_space<hbm>>) target_semaphore(%dma_start3A_278 : memref<!tpu.dma_semaphore, #tpu.memory_space<semaphore_mem>>)
    %add3A_285 = arith.constant 25216 : i32
    %add3A_286 = arith.addi %mul3A_2, %add3A_285 : i32
    %dma_wait3A_287 = arith.constant 0 : i32
    %dma_wait3A_288 = arith.constant 0 : i32
    %dma_wait3A_289 = arith.constant 0 : i32
    %dma_wait3A_290 = arith.constant 0 : i32
    %dma_wait3A_291 = tpu.memref_slice %arg6[%dma_wait3A_287, %dma_wait3A_289, %dma_wait3A_290] : memref<3x128x128xf32, #tpu.memory_space<vmem>> -> memref<1x128x128xf32, #tpu.memory_space<vmem>>
    %dma_wait3A_292 = tpu.memref_squeeze %dma_wait3A_291 : memref<1x128x128xf32, #tpu.memory_space<vmem>> -> memref<128x128xf32, #tpu.memory_space<vmem>>
    %dma_wait3A_293 = arith.constant 0 : i32
    %dma_wait3A_294 = tpu.memref_slice %arg4[%add3A_286, %dma_wait3A_293] : memref<819200x128xf32, #tpu.memory_space<hbm>> -> memref<128x128xf32, #tpu.memory_space<hbm>>
    %dma_wait3A_295 = tpu.memref_slice %arg10[%dma_wait3A_288] : memref<3x!tpu.dma_semaphore, #tpu.memory_space<semaphore_mem>> -> memref<1x!tpu.dma_semaphore, #tpu.memory_space<semaphore_mem>>
    %dma_wait3A_296 = tpu.memref_squeeze %dma_wait3A_295 : memref<1x!tpu.dma_semaphore, #tpu.memory_space<semaphore_mem>> -> memref<!tpu.dma_semaphore, #tpu.memory_space<semaphore_mem>>
    %dma_wait3A_297 = arith.constant 0 : i32
    %dma_wait3A_298 = tpu.memref_slice %arg4[%add3A_286, %dma_wait3A_297] : memref<819200x128xf32, #tpu.memory_space<hbm>> -> memref<128x128xf32, #tpu.memory_space<hbm>>
    %dma_wait3A_299 = arith.constant 0 : i32
    %dma_wait3A_300 = arith.constant 0 : i32
    %dma_wait3A_301 = tpu.memref_slice %arg6[%dma_wait3A_287, %dma_wait3A_299, %dma_wait3A_300] : memref<3x128x128xf32, #tpu.memory_space<vmem>> -> memref<1x128x128xf32, #tpu.memory_space<vmem>>
    %dma_wait3A_302 = tpu.memref_squeeze %dma_wait3A_301 : memref<1x128x128xf32, #tpu.memory_space<vmem>> -> memref<128x128xf32, #tpu.memory_space<vmem>>
    tpu.wait_dma2 semaphore(%dma_wait3A_296 : memref<!tpu.dma_semaphore, #tpu.memory_space<semaphore_mem>>) src(%dma_wait3A_302 : memref<128x128xf32, #tpu.memory_space<vmem>>) dst(%dma_wait3A_298 : memref<128x128xf32, #tpu.memory_space<hbm>>)
    %add3A_303 = arith.constant 25344 : i32
    %add3A_304 = arith.addi %mul3A_2, %add3A_303 : i32
    %dma_wait3A_305 = arith.constant 1 : i32
    %dma_wait3A_306 = arith.constant 1 : i32
    %dma_wait3A_307 = arith.constant 0 : i32
    %dma_wait3A_308 = arith.constant 0 : i32
    %dma_wait3A_309 = tpu.memref_slice %arg6[%dma_wait3A_305, %dma_wait3A_307, %dma_wait3A_308] : memref<3x128x128xf32, #tpu.memory_space<vmem>> -> memref<1x128x128xf32, #tpu.memory_space<vmem>>
    %dma_wait3A_310 = tpu.memref_squeeze %dma_wait3A_309 : memref<1x128x128xf32, #tpu.memory_space<vmem>> -> memref<128x128xf32, #tpu.memory_space<vmem>>
    %dma_wait3A_311 = arith.constant 0 : i32
    %dma_wait3A_312 = tpu.memref_slice %arg4[%add3A_304, %dma_wait3A_311] : memref<819200x128xf32, #tpu.memory_space<hbm>> -> memref<128x128xf32, #tpu.memory_space<hbm>>
    %dma_wait3A_313 = tpu.memref_slice %arg10[%dma_wait3A_306] : memref<3x!tpu.dma_semaphore, #tpu.memory_space<semaphore_mem>> -> memref<1x!tpu.dma_semaphore, #tpu.memory_space<semaphore_mem>>
    %dma_wait3A_314 = tpu.memref_squeeze %dma_wait3A_313 : memref<1x!tpu.dma_semaphore, #tpu.memory_space<semaphore_mem>> -> memref<!tpu.dma_semaphore, #tpu.memory_space<semaphore_mem>>
    %dma_wait3A_315 = arith.constant 0 : i32
    %dma_wait3A_316 = tpu.memref_slice %arg4[%add3A_304, %dma_wait3A_315] : memref<819200x128xf32, #tpu.memory_space<hbm>> -> memref<128x128xf32, #tpu.memory_space<hbm>>
    %dma_wait3A_317 = arith.constant 0 : i32
    %dma_wait3A_318 = arith.constant 0 : i32
    %dma_wait3A_319 = tpu.memref_slice %arg6[%dma_wait3A_305, %dma_wait3A_317, %dma_wait3A_318] : memref<3x128x128xf32, #tpu.memory_space<vmem>> -> memref<1x128x128xf32, #tpu.memory_space<vmem>>
    %dma_wait3A_320 = tpu.memref_squeeze %dma_wait3A_319 : memref<1x128x128xf32, #tpu.memory_space<vmem>> -> memref<128x128xf32, #tpu.memory_space<vmem>>
    tpu.wait_dma2 semaphore(%dma_wait3A_314 : memref<!tpu.dma_semaphore, #tpu.memory_space<semaphore_mem>>) src(%dma_wait3A_320 : memref<128x128xf32, #tpu.memory_space<vmem>>) dst(%dma_wait3A_316 : memref<128x128xf32, #tpu.memory_space<hbm>>)
    %add3A_321 = arith.constant 25472 : i32
    %add3A_322 = arith.addi %mul3A_2, %add3A_321 : i32
    %dma_wait3A_323 = arith.constant 2 : i32
    %dma_wait3A_324 = arith.constant 2 : i32
    %dma_wait3A_325 = arith.constant 0 : i32
    %dma_wait3A_326 = arith.constant 0 : i32
    %dma_wait3A_327 = tpu.memref_slice %arg6[%dma_wait3A_323, %dma_wait3A_325, %dma_wait3A_326] : memref<3x128x128xf32, #tpu.memory_space<vmem>> -> memref<1x128x128xf32, #tpu.memory_space<vmem>>
    %dma_wait3A_328 = tpu.memref_squeeze %dma_wait3A_327 : memref<1x128x128xf32, #tpu.memory_space<vmem>> -> memref<128x128xf32, #tpu.memory_space<vmem>>
    %dma_wait3A_329 = arith.constant 0 : i32
    %dma_wait3A_330 = tpu.memref_slice %arg4[%add3A_322, %dma_wait3A_329] : memref<819200x128xf32, #tpu.memory_space<hbm>> -> memref<128x128xf32, #tpu.memory_space<hbm>>
    %dma_wait3A_331 = tpu.memref_slice %arg10[%dma_wait3A_324] : memref<3x!tpu.dma_semaphore, #tpu.memory_space<semaphore_mem>> -> memref<1x!tpu.dma_semaphore, #tpu.memory_space<semaphore_mem>>
    %dma_wait3A_332 = tpu.memref_squeeze %dma_wait3A_331 : memref<1x!tpu.dma_semaphore, #tpu.memory_space<semaphore_mem>> -> memref<!tpu.dma_semaphore, #tpu.memory_space<semaphore_mem>>
    %dma_wait3A_333 = arith.constant 0 : i32
    %dma_wait3A_334 = tpu.memref_slice %arg4[%add3A_322, %dma_wait3A_333] : memref<819200x128xf32, #tpu.memory_space<hbm>> -> memref<128x128xf32, #tpu.memory_space<hbm>>
    %dma_wait3A_335 = arith.constant 0 : i32
    %dma_wait3A_336 = arith.constant 0 : i32
    %dma_wait3A_337 = tpu.memref_slice %arg6[%dma_wait3A_323, %dma_wait3A_335, %dma_wait3A_336] : memref<3x128x128xf32, #tpu.memory_space<vmem>> -> memref<1x128x128xf32, #tpu.memory_space<vmem>>
    %dma_wait3A_338 = tpu.memref_squeeze %dma_wait3A_337 : memref<1x128x128xf32, #tpu.memory_space<vmem>> -> memref<128x128xf32, #tpu.memory_space<vmem>>
    tpu.wait_dma2 semaphore(%dma_wait3A_332 : memref<!tpu.dma_semaphore, #tpu.memory_space<semaphore_mem>>) src(%dma_wait3A_338 : memref<128x128xf32, #tpu.memory_space<vmem>>) dst(%dma_wait3A_334 : memref<128x128xf32, #tpu.memory_space<hbm>>)
    return
  }
}

</mosaic_0001>

<sc_bundles>
// kernel: kernel.3.cloned.1.call-start
scs
__scs_entry_jumppad:
0x0: {  	(pc) =	sbr.rel $0x88, $3  }
0x1: {  	(tag) =	ssettag $0x0;
	lr =	simm.s32 $0x1  }
0x2: {  	[smem:$0x3F9F] =	sst lr;
	_ =	strace $0xD0000000  }
0x3: {  	_ = 	snop  }
0x4: {  	_ = 	snop  }
0x5: {  	_ = 	snop  }
0x6: {  	_ = 	snop  }
0x7: {  	_ = 	snop  }
__scs_overlays_trampoline_lowered:
0x8: {  	[smem:$0x3FAE] =	sst s0  }
0x9: {  	[smem:$0x3FAF] =	sst s1  }
0xa: {  	[smem:$0x3FB0] =	sst s2  }
0xb: {  	[smem:$0x3FB1] =	sst s3  }
0xc: {  	[smem:$0x3FB2] =	sst s4  }
0xd: {  	[smem:$0x3FB3] =	sst s5  }
0xe: {  	[smem:$0x3FB4] =	sst s6  }
0xf: {  	[smem:$0x3FB5] =	sst s7  }
0x10: {  	[smem:$0x3FB6] =	sst s8  }
0x11: {  	[smem:$0x3FB7] =	sst s9;
	s0 =	simm.s32 @!p0 $0x0  }
0x12: {  	s1 =	sld [smem:$0x3F9D];
	s0 =	simm.s32 @p0 $0x1  }
0x13: {  	[smem:$0x3FB8] =	sst s0;
	s0 =	simm.s32 @!p1 $0x0  }
0x14: {  	s2 =	sld [smem:$0x3F9C];
	s0 =	simm.s32 @p1 $0x1  }
0x15: {  	[smem:$0x3FB9] =	sst s0;
	s0 =	simm.s32 @!p2 $0x0  }
0x16: {  	s3 =	sld [smem:$0x3FDB];
	s0 =	simm.s32 @p2 $0x1  }
0x17: {  	s4 =	simm.s32 $0x1BF5;
	[smem:$0x3FBB] =	sst s0  }
0x18: {  	s0 =	sld [smem:$0x3F9E];
	_ =	swait.ge [sflag:s4], $0x0  }
0x19: {  	s7 =	sld [smem:$0x3F9F]  }
0x1a: {  	s8 =	sadd.s32 $0xFFFFE003, lr  }
0x1b: {  	s9 =	sadd.s32 $0xFFFFFEF7, lr;
	s5 =	simm.s32 $0xFFFFFFFF;
	p2 =	slt.u32 s8, $0xFFFFF086  }
0x1c: {  	p1 =	slt.u32 s9, $0xF7A;
	s5 =	simm.s32 @!p2 $0x0  }
0x1d: {  	s5 =	simm.s32 @p1 $0x1;
	p0 =	seq.s32 s7, s2  }
0x1e: {  	s7 =	smul.u32 @!p0 $0xF7A, s2;
	p2 =	seq.s32 @!p0 s5, $0x0  }
0x1f: {  	s9 =	smul.u32 $0xF7A, s1;
	s8 =	simm.s32 @!p0 $0x1BF5;
	p2 =	por !p2, p0  }
0x20: {  	[sflag:s8] =	ssyncset.s32 @!p0 $0xFFFFF086;
	s6 =	sadd.s32 @!p0 s3, s7;
	s7 =	simm.s32 @!p0 $0x108  }
0x21: {  	s3 =	sadd.s32 s3, s9;
	s6 =	sadd.s32 @!p0 $0x88, s6;
	s7 =	simm.s32 @p2 $0x1082  }
0x22: {  	[simem:s7], [sflag:s8] =	dma.local @!p0 [hbm:s6], $0xF7A  }
0x23: {  	s9 =	sor.u32 $0xD0000000, s2;
	s6 =	simm.s32 $0x108;
	_ =	swait.ge @!p0 [sflag:s8], $0x0  }
0x24: {  	s3 =	sadd.s32 $0x88, s3;
	s6 =	simm.s32 @!p1 $0x1082;
	[sflag:s4] =	ssyncset.s32 $0xFFFFF086  }
0x25: {  	[simem:s6], [sflag:s4] =	dma.local [hbm:s3], $0xF7A  }
0x26: {  	[smem:$0x3F9F] =	sst s1;
	(tag) =	ssettag s2;
	_ =	strace s9  }
0x27: {  	s1 =	sld [smem:$0x3FAF]  }
0x28: {  	s2 =	sld [smem:$0x3FB0]  }
0x29: {  	s4 =	sld [smem:$0x3FB2]  }
0x2a: {  	p0 =	seq.s32 s5, $0x0;
	s5 =	sld [smem:$0x3FB3]  }
0x2b: {  	s6 =	sld [smem:$0x3FB4]  }
0x2c: {  	s7 =	sld [smem:$0x3FB5]  }
0x2d: {  	s3 =	simm.s32 $0x108;
	s8 =	sld [smem:$0x3FB6]  }
0x2e: {  	s3 =	simm.s32 @!p0 $0x1082;
	s9 =	sld [smem:$0x3FB7]  }
0x2f: {  	lr =	sadd.s32 s0, s3;
	s0 =	sld [smem:$0x3FAE]  }
0x30: {  	s3 =	sld [smem:$0x3FB1]  }
0x31: {  	[smem:$0x3FBA] =	sst s10  }
0x32: {  	s10 =	sld [smem:$0x3FB8];
	_ =	sdelay $0x3  }
0x33: {  	p0 =	seq.s32 s10, $0x1;
	s10 =	sld [smem:$0x3FBA];
	_ =	sdelay $0x3  }
0x34: {  	[smem:$0x3FBA] =	sst s10  }
0x35: {  	s10 =	sld [smem:$0x3FB9];
	_ =	sdelay $0x3  }
0x36: {  	p1 =	seq.s32 s10, $0x1;
	s10 =	sld [smem:$0x3FBA];
	_ =	sdelay $0x3  }
0x37: {  	[smem:$0x3FBA] =	sst s10  }
0x38: {  	s10 =	sld [smem:$0x3FBB]  }
0x39: {  	_ = 	snop;
	(pc) =	sbr.ind lr, $3  }
0x3a: {  	_ = 	snop  }
0x3b: {  	_ = 	snop  }
0x3c: {  	p2 =	seq.s32 s10, $0x1;
	s10 =	sld [smem:$0x3FBA]  }
0x3d: {  	_ =	shalt  }
0x3e: {  	_ =	shalt  }
0x3f: {  	_ =	shalt  }
0x40: {  	_ =	shalt  }
0x41: {  	_ =	shalt  }
0x42: {  	_ =	shalt  }
0x43: {  	_ =	shalt  }
0x44: {  	_ =	shalt  }
0x45: {  	_ =	shalt  }
0x46: {  	_ =	shalt  }
0x47: {  	_ =	shalt  }
0x48: {  	_ =	shalt  }
0x49: {  	_ =	shalt  }
0x4a: {  	_ =	shalt  }
0x4b: {  	_ =	shalt  }
0x4c: {  	_ =	shalt  }
0x4d: {  	_ =	shalt  }
0x4e: {  	_ =	shalt  }
0x4f: {  	_ =	shalt  }
0x50: {  	_ =	shalt  }
0x51: {  	_ =	shalt  }
0x52: {  	_ =	shalt  }
0x53: {  	_ =	shalt  }
0x54: {  	_ =	shalt  }
0x55: {  	_ =	shalt  }
0x56: {  	_ =	shalt  }
0x57: {  	_ =	shalt  }
0x58: {  	_ =	shalt  }
0x59: {  	_ =	shalt  }
0x5a: {  	_ =	shalt  }
0x5b: {  	_ =	shalt  }
0x5c: {  	_ =	shalt  }
0x5d: {  	_ =	shalt  }
0x5e: {  	_ =	shalt  }
0x5f: {  	_ =	shalt  }
0x60: {  	_ =	shalt  }
0x61: {  	_ =	shalt  }
0x62: {  	_ =	shalt  }
0x63: {  	_ =	shalt  }
0x64: {  	_ =	shalt  }
0x65: {  	_ =	shalt  }
0x66: {  	_ =	shalt  }
0x67: {  	_ =	shalt  }
0x68: {  	_ =	shalt  }
0x69: {  	_ =	shalt  }
0x6a: {  	_ =	shalt  }
0x6b: {  	_ =	shalt  }
0x6c: {  	_ =	shalt  }
0x6d: {  	_ =	shalt  }
0x6e: {  	_ =	shalt  }
0x6f: {  	_ =	shalt  }
0x70: {  	_ =	shalt  }
0x71: {  	_ =	shalt  }
0x72: {  	_ =	shalt  }
0x73: {  	_ =	shalt  }
0x74: {  	_ =	shalt  }
0x75: {  	_ =	shalt  }
0x76: {  	_ =	shalt  }
0x77: {  	_ =	shalt  }
0x78: {  	_ =	shalt  }
0x79: {  	_ =	shalt  }
0x7a: {  	_ =	shalt  }
0x7b: {  	_ =	shalt  }
0x7c: {  	_ =	shalt  }
0x7d: {  	_ =	shalt  }
0x7e: {  	_ =	shalt  }
0x7f: {  	_ =	shalt  }
0x80: {  	_ =	shalt  }
0x81: {  	_ =	shalt  }
0x82: {  	_ =	shalt  }
0x83: {  	_ =	shalt  }
0x84: {  	_ =	shalt  }
0x85: {  	_ =	shalt  }
0x86: {  	_ =	shalt  }
0x87: {  	_ =	shalt  }
.Lfunc_end0:
.L_simem_size_0:
called_computation_lowered:
.L_overlay_start_0:
0x88: {  	s2 =	sld [smem:$0x3FD9]  }
0x89: {  	s3 =	sld [smem:$0x3FFE];
	_ =	sdelay $0x1  }
0x8a: {  	s1 =	srdreg.scid  }
0x8b: {  	s0 =	sand.u32 $0x1, s1  }
0x8c: {  	s17 =	sshll.u32 s0, $0xA;
	s2 =	sadd.s32 s3, s2  }
0x8d: {  	s2 =	sadd.s32 s2, s17  }
0x8e: {  	[smem:$0x3FC6] =	sst s2  }
0x8f: {  	_ = 	snop  }
0x90: {  	s2 =	sld [smem:$0x3FC8]  }
0x91: {  	s18 =	sld [smem:$0x3FD0];
	(tm) =	ssettm $0x1  }
0x92: {  	s4 =	sld [smem:$0x3FFB];
	_ =	sdelay $0x3  }
0x93: {  	_ =	strace s4  }
0x94: {  	s4 =	sld [smem:$0x3FFC];
	_ =	sdelay $0x3  }
0x95: {  	_ =	strace s4  }
0x96: {  	s4 =	sld [smem:$0x3FFD];
	_ =	sdelay $0x3  }
0x97: {  	_ =	strace s4  }
0x98: {  	_ =	strace $0x8FFFFFFF  }
0x99: {  	s19 =	sld [smem:$0x3FDB];
	_ =	sdelay $0x1  }
0x9a: {  	s5 =	simm.s32 $_scs_section_size  }
0x9b: {  	s6 =	simm.s32 $_size__tile_overlayer_lowered;
	s7 =	simm.s32 $_tile_overlayer_lowered  }
0x9c: {  	s22 =	simm.s32 $0x1BFF;
	s21 =	sshll.u32 s7, $0x1;
	s4 =	sadd.s32 s5, s19  }
0x9d: {  	s8 =	simm.s32 $0x0;
	s20 =	sshll.u32 s6, $0x1;
	s6 =	sadd.s32 s21, s4  }
0x9e: {  	[timem:s8], [sflag:s22] =	dma.local [hbm:s6], s20  }
0x9f: {  	_ =	swait.ge [sflag:s22], s20  }
0xa0: {  	s5 =	ssub.s32 $0x0, s20;
	[sflag:s22] =	ssyncset.done $0x0  }
0xa1: {  	[sflag:s22] =	ssyncadd.s32 s5;
	_ =	sdelay $0x1  }
0xa2: {  	s23 =	simm.s32 $0x1B8B  }
0xa3: {  	_ =	swait.ge [sflag:s23], $0x1  }
0xa4: {  	[sflag:s23] =	ssyncset.done $0x0  }
0xa5: {  	s25 =	simm.s32 $0x1B8E;
	s24 =	sld [smem:$0x3FFE];
	[sflag:s23] =	ssyncadd.s32 $0xFFFFFFFF  }
0xa6: {  	s26 =	simm.s32 $execute0_lowered;
	[smem:$0x3FD2] =	sst s25  }
0xa7: {  	s6 =	sshll.u32 s26, $0x1;
	_ =	strace $0x80000046;
	[dreg:$0x1] =	wrdreg $0xFFFFFFFF  }
0xa8: {  	s28 =	simm.s32 $_size_execute0_lowered;
	s4 =	sadd.s32 s4, s6;
	[dreg:$0x0] =	wrdreg $0x0  }
0xa9: {  	s6 =	sshll.u32 s28, $0x1;
	[dreg:$0x2] =	wrdreg s4  }
0xaa: {  	[dreg:$0x3] =	wrdreg s6  }
0xab: {  	[dreg:$0x4] =	wrdreg $0xC0  }
0xac: {  	_ =	task [dreg:s8], $0x5FFFF  }
0xad: {  	[dreg:$0x1] =	wrdreg $0xFFFFFFFF  }
0xae: {  	[dreg:$0x0] =	wrdreg $0x60  }
0xaf: {  	[dreg:$0x2] =	wrdreg s24  }
0xb0: {  	[dreg:$0x3] =	wrdreg s2  }
0xb1: {  	[dreg:$0x4] =	wrdreg s18  }
0xb2: {  	[dreg:$0x5] =	wrdreg $0xC4000  }
0xb3: {  	[dreg:$0x6] =	wrdreg $0x9  }
0xb4: {  	_ =	task.clear_ibuf [dreg:s8], $0x7FFFF;
	_ =	strace $0x90000046  }
0xb5: {  	s29 =	simm.s32 $0x9;
	_ =	strace $0x80000048  }
0xb6: {  	_ =	swait.ge [sflag:s29], $0x1  }
0xb7: {  	[sflag:s29] =	ssyncadd.s32 $0xFFFFFFFF  }
0xb8: {  	_ =	strace $0x90000048  }
0xb9: {  	_ =	sfence  }
0xba: {  	s30 =	sld [smem:$0x0];
	_ =	sdelay $0x2  }
0xbb: {  	s31 =	sshll.u32 s1, $0xD;
	s1 =	sshrl.u32 s1, $0x2  }
0xbc: {  	s3 =	sand.u32 $0x4000, s31;
	s1 =	sadd.s32 s1, s30  }
0xbd: {  	s0 =	sor.u32 s3, s0;
	s1 =	sshll.u32 s1, $0x11  }
0xbe: {  	s0 =	sor.u32 s1, s0  }
0xbf: {  	s0 =	sadd.s32 $0x8F2B, s0  }
0xc0: {  	[sflag:s0] =	ssyncadd.remote.s32 $0x1  }
0xc1: {  	_ =	sfence.sel $0xFFFF  }
0xc2: {  	[dreg:$0x0] =	wrdreg $0xFFFFFFFF;
	(pc) =	sbr.abs _section_cstart, $3  }
0xc3: {  	[dreg:$0x1] =	wrdreg $0xFFFFFFFF  }
0xc4: {  	_ =	task.clear_ibuf [dreg:s8], $0x2FFFF;
	_ =	strace $0x9FFFFFFF  }
0xc5: {  	(tm) =	ssettm $0x7FFFFFFF  }
tec
execute0_lowered:
.L_overlay_start_1:
0x0: {  	(tag) =	ssettag $0x1  }
0x1: {  	s0 =	rddreg [dreg:$0x0]  }
0x2: {  	s11 =	rddreg [dreg:$0x1]  }
0x3: {  	s13 =	rddreg [dreg:$0x2]  }
0x4: {  	s4 =	rddreg [dreg:$0x3]  }
0x5: {  	s1 =	srdreg.scid;
	s12 =	stileid.u32;
	s5 =	simm.s32 $0x0  }
0x6: {  	s31 =	simm.s32 $0x280;
	s30 =	simm.s32 $0x100;
	s3 =	smul.u32 $0x4E000, s12  }
0x7: {  	s1 =	sand.u32 $0x1, s1;
	s2 =	sshll.u32 s12, $0x1;
	s10 =	smul.u32 $0x2700, s12  }
0x8: {  	[smem:$0x7FF] =	sst s5;
	s7 =	sadd.s32 $0x400, s0;
	s20 =	smul.u32 $0x640000, s12  }
0x9: {  	s17 =	sadd.s32 $0x24900, s11;
	s24 =	smul.u32 $0xC8000, s12;
	p0 =	seq.s32 s12, $0xF  }
0xa: {  	s2 =	sor.u32 s1, s2;
	_ =	strace $0x80000047;
	s23 =	smul.u32 $0x320000, s1  }
0xb: {  	s8 =	ssub.s32 $0x2, s1;
	[dreg:$0x6] =	wrdreg s17;
	s1 =	smul.u32 $0x64000, s1  }
0xc: {  	s17 =	simm.s32 $0x5;
	s6 =	smul.u32 $0x6400, s2;
	s9 =	sshrl.u32 s8, $0x1  }
0xd: {  	s3 =	sshrl.u32 s3, $0x2;
	s15 =	sadd.s32 s11, s10;
	s2 =	smul.u32 $0x320000, s2  }
0xe: {  	s10 =	simm.s32 $0x0;
	s14 =	ssub.s32 s8, s9;
	s3 =	sadd.s32 s3, s4  }
0xf: {  	[dreg:$0x5] =	wrdreg s15;
	s8 =	sadd.s32 $0x124800, s4;
	s15 =	simm.s32 $0x8  }
0x10: {  	s16 =	sshrl.u32 s6, $0x3;
	s2 =	sshrl.u32 s2, $0x3;
	s0 =	smax.u32 s14, $0x1  }
0x11: {  	s14 =	simm.s32 $0x4;
	s18 =	sadd.s32 s7, s16;
	[dreg:$0xf] =	wrdreg s0  }
0x12: {  	s2 =	sadd.s32 s13, s2;
	s9 =	sadd.s32 $0x10, s18;
	[dreg:$0x7] =	wrdreg s18  }
0x13: {  	s0 =	sshll.u32 @!p0 s12, $0x6;
	s19 =	sadd.s32 $0x20, s18;
	[dreg:$0x8] =	wrdreg s9  }
0x14: {  	s12 =	simm.s32 $0x7;
	s21 =	sadd.s32 $0x30, s18;
	[dreg:$0x9] =	wrdreg s19  }
0x15: {  	s13 =	simm.s32 $0xA;
	s22 =	sadd.s32 $0x40, s18;
	[dreg:$0xa] =	wrdreg s21  }
0x16: {  	s16 =	simm.s32 $0xB;
	s11 =	sadd.s32 $0x50, s18;
	[dreg:$0xb] =	wrdreg s22  }
0x17: {  	s25 =	sadd.s32 $0x63000, s2;
	s2 =	sadd.s32 $0x63800, s2;
	[dreg:$0xc] =	wrdreg s11  }
0x18: {  	s0 =	sor.u32 @!p0 $0x1C0D, s0;
	s18 =	simm.s32 $0x9;
	[dreg:$0xd] =	wrdreg s25  }
0x19: {  	s9 =	sadd.s32 s23, s20;
	[dreg:$0xe] =	wrdreg s2;
	s19 =	sadd.s32 s1, s24  }
0x1a: {  	s1 =	sshrl.u32 @p0 s8, $0x3;
	[dreg:$0x11] =	wrdreg s0;
	s0 =	sshrl.u32 @!p0 s3, $0x3  }
0x1b: {  	s2 =	simm.s32 $0x400;
	s3 =	simm.s32 $0x2;
	s8 =	simm.s32 $0x4400  }
.Ltmp0:
0x1c: {  	s11 =	simm.s32 $0x8400;
	s23 =	simm.s32 $0xC;
	(pc) =	sbr.rel .LBB2_1-.Ltmp0, $4  }
0x1d: {  	s24 =	simm.s32 $0x6;
	s26 =	sor.u32 $0x14000, s9;
	[dreg:$0x10] =	wrdreg s1  }
0x1e: {  	s28 =	sor.u32 $0x10000, s9;
	s29 =	sor.u32 $0xC000, s9;
	[dreg:$0x12] =	wrdreg s0  }
0x1f: {  	s0 =	simm.s32 $0x1;
	s9 =	simm.s32 $0x3;
	s20 =	sshrl.u32 s26, $0x3  }
0x20: {  	s21 =	sshrl.u32 s28, $0x3;
	s22 =	sshrl.u32 s29, $0x3;
	s26 =	simm.s32 $0x80  }
.LBB2_4:
0x21: {  	_ =	swait.ge [sflag:s12], $0x4000  }
0x22: {  	[sflag:s12] =	ssyncset.done $0x0  }
0x23: {  	s1 =	rddreg [dreg:$0xd];
	[sflag:s12] =	ssyncadd.s32 $0xFFFFC000  }
0x24: {  	[hbm4b:s1+s5] =	stream.linear.scatter [tilespmem:s2], [sflag:$0xA], $0x4000, $0x38;
	[tilespmem:$0x1FC80] =	vst v63  }
0x25: {  	_ =	swait.ge [sflag:s15], $0x4000  }
0x26: {  	[sflag:s15] =	ssyncset.done $0x0  }
0x27: {  	s28 =	rddreg [dreg:$0xe];
	[sflag:s15] =	ssyncadd.s32 $0xFFFFC000  }
0x28: {  	[hbm4b:s28+s5] =	stream.linear.scatter [tilespmem:s8], [sflag:$0xB], $0x4000, $0x38;
	[tilespmem:$0x1FC80] =	vst v63  }
0x29: {  	_ =	swait.ge [sflag:s13], $0x4000  }
0x2a: {  	[sflag:s13] =	ssyncset.done $0x0  }
0x2b: {  	[sflag:s13] =	ssyncadd.s32 $0xFFFFC000  }
0x2c: {  	_ =	swait.ge [sflag:s16], $0x4000  }
0x2d: {  	[sflag:s16] =	ssyncset.done $0x0  }
0x2e: {  	[sflag:s16] =	ssyncadd.s32 $0xFFFFC000  }
0x2f: {  	_ =	swait.ge [sflag:s23], $0x4000  }
0x30: {  	s10 =	rddreg [dreg:$0x13]  }
0x31: {  	s29 =	rddreg [dreg:$0xf];
	s10 =	sadd.s32 $0x1, s10  }
0x32: {  	p1 =	sne.s32 s10, s29  }
.Ltmp1:
0x33: {  	_ = 	snop;
	(pc) =	sbr.rel @!p1 .LBB2_5-.Ltmp1, $3  }
0x34: {  	_ =	sdelay $0x1  }
0x35: {  	[sflag:s23] =	ssyncset.done $0x0  }
0x36: {  	[sflag:s23] =	ssyncadd.s32 $0xFFFFC000  }
.LBB2_1:
0x37: {  	[dreg:$0x13] =	wrdreg s10  }
0x38: {  	s10 =	rddreg [dreg:$0x6]  }
0x39: {  	s1 =	simm.s32 @p0 $0x1FCD;
	s25 =	rddreg [dreg:$0x10]  }
0x3a: {  	[spmem:s25], [sflag:s1] =	dma.local @p0 [hbm:s10], $0x2800  }
0x3b: {  	s1 =	rddreg [dreg:$0x5]  }
0x3c: {  	s10 =	rddreg [dreg:$0x11]  }
0x3d: {  	s25 =	rddreg [dreg:$0x12]  }
0x3e: {  	[spmem:s25], [sflag:s10] =	dma.local @!p0 [hbm:s1], $0x2700  }
0x3f: {  	s1 =	rddreg [dreg:$0x7]  }
0x40: {  	[tilespmem:s5], [sflag:$0x1] =	stream.linear.gather [hbm4b:s1+s5], $0x80, $0x38;
	[tilespmem:$0x1FC80] =	vst v63  }
0x41: {  	s10 =	rddreg [dreg:$0x8]  }
0x42: {  	[tilespmem:s26], [sflag:$0x2] =	stream.linear.gather [hbm4b:s10+s5], $0x80, $0x38;
	[tilespmem:$0x1FC80] =	vst v63  }
0x43: {  	s25 =	rddreg [dreg:$0x9];
	s10 =	simm.s32 $0x100  }
0x44: {  	[tilespmem:s10], [sflag:$0x3] =	stream.linear.gather [hbm4b:s25+s5], $0x80, $0x38;
	[tilespmem:$0x1FC80] =	vst v63  }
0x45: {  	s29 =	simm.s32 $0x180;
	s28 =	rddreg [dreg:$0xa]  }
0x46: {  	[tilespmem:s29], [sflag:$0x4] =	stream.linear.gather [hbm4b:s28+s5], $0x80, $0x38;
	[tilespmem:$0x1FC80] =	vst v63  }
0x47: {  	s28 =	rddreg [dreg:$0xb];
	s29 =	simm.s32 $0x200  }
0x48: {  	[tilespmem:s29], [sflag:$0x5] =	stream.linear.gather [hbm4b:s28+s5], $0x80, $0x38;
	[tilespmem:$0x1FC80] =	vst v63  }
0x49: {  	s28 =	rddreg [dreg:$0xc]  }
0x4a: {  	[tilespmem:s31], [sflag:$0x6] =	stream.linear.gather [hbm4b:s28+s5], $0x80, $0x38;
	[tilespmem:$0x1FC80] =	vst v63  }
0x4b: {  	_ =	swait.ge [sflag:s0], $0x80  }
0x4c: {  	[sflag:s0] =	ssyncset.done $0x0  }
0x4d: {  	[sflag:s0] =	ssyncadd.s32 $0xFFFFFF80  }
0x4e: {  	s29 =	rddreg [dreg:$0x1]  }
0x4f: {  	[tilespmem:s2], [sflag:$0x7] =	stream.indirect.gather [hbm4b:s29+s26], $0x80, s5, s26, $0xb8;
	[tilespmem:$0x1FC80] =	vst v63  }
0x50: {  	_ =	swait.ge [sflag:s3], $0x80  }
0x51: {  	[sflag:s3] =	ssyncset.done $0x0  }
0x52: {  	[sflag:s3] =	ssyncadd.s32 $0xFFFFFF80  }
0x53: {  	[tilespmem:s8], [sflag:$0x8] =	stream.indirect.gather [hbm4b:s29+s26], $0x80, s26, s26, $0xb8;
	[tilespmem:$0x1FC80] =	vst v63  }
0x54: {  	_ =	swait.ge [sflag:s9], $0x80  }
0x55: {  	[sflag:s9] =	ssyncset.done $0x0  }
0x56: {  	s1 =	simm.s32 @p0 $0xD;
	[sflag:s9] =	ssyncadd.s32 $0xFFFFFF80  }
0x57: {  	[tilespmem:s11], [sflag:$0x9] =	stream.indirect.gather [hbm4b:s29+s26], $0x80, s10, s26, $0xb8;
	[tilespmem:$0x1FC80] =	vst v63  }
0x58: {  	_ =	swait.ge @p0 [sflag:s1], $0x2800  }
0x59: {  	[sflag:s1] =	ssyncset.done @p0 $0x0  }
0x5a: {  	[sflag:s1] =	ssyncadd.s32 @p0 $0xFFFFD800;
	s1 =	simm.s32 @!p0 $0xD  }
0x5b: {  	_ =	swait.ge @!p0 [sflag:s1], $0x2700  }
0x5c: {  	[sflag:s1] =	ssyncset.done @!p0 $0x0  }
0x5d: {  	[sflag:s1] =	ssyncadd.s32 @!p0 $0xFFFFD900  }
0x5e: {  	[bflag:$0x0] =	sbarrier.arrive $0xFFFF  }
0x5f: {  	s10 =	simm.s32 $0x580;
	s1 =	rddreg [dreg:$0x2]  }
.LBB2_2:
0x60: {  	_ =	swait.ge [sflag:s12], $0x4000;
	s28 =	sadd.s32 $0xFFFFFD80, s10  }
0x61: {  	s25 =	sadd.s32 s1, s19;
	[sflag:s12] =	ssyncset.done $0x0;
	s29 =	sand.u32 $0x1FC00, s28  }
0x62: {  	s28 =	sand.u32 $0x300, s28;
	[sflag:s12] =	ssyncadd.s32 $0xFFFFC000;
	s29 =	sadd.s32 s6, s29  }
0x63: {  	[hbm4b:s25+s5] =	stream.linear.scatter [tilespmem:s2], [sflag:$0xA], $0x4000, $0x38;
	[tilespmem:$0x1FC80] =	vst v63  }
0x64: {  	s28 =	sor.u32 s28, s29  }
0x65: {  	s28 =	sshrl.u32 s28, $0x3  }
0x66: {  	s28 =	sadd.s32 s7, s28  }
0x67: {  	[tilespmem:s5], [sflag:$0x1] =	stream.linear.gather [hbm4b:s28+s5], $0x80, $0x38;
	[tilespmem:$0x1FC80] =	vst v63  }
0x68: {  	_ =	swait.ge [sflag:s13], $0x4000  }
0x69: {  	[sflag:s13] =	ssyncset.done $0x0  }
0x6a: {  	[sflag:s13] =	ssyncadd.s32 $0xFFFFC000  }
0x6b: {  	_ =	swait.ge [sflag:s14], $0x80  }
0x6c: {  	[sflag:s14] =	ssyncset.done $0x0  }
0x6d: {  	s29 =	simm.s32 $0x180;
	[sflag:s14] =	ssyncadd.s32 $0xFFFFFF80  }
0x6e: {  	[tilespmem:s2], [sflag:$0x7] =	stream.indirect.gather [spmem:s4], $0x80, s29, s26, $0xb8;
	[tilespmem:$0x1FC80] =	vst v63  }
0x6f: {  	_ =	swait.ge [sflag:s15], $0x4000  }
0x70: {  	[sflag:s15] =	ssyncset.done $0x0  }
0x71: {  	s28 =	sadd.s32 $0xFFFFFE00, s10;
	s29 =	sadd.s32 $0x800, s25;
	[sflag:s15] =	ssyncadd.s32 $0xFFFFC000  }
0x72: {  	[hbm4b:s29+s5] =	stream.linear.scatter [tilespmem:s8], [sflag:$0xB], $0x4000, $0x38;
	[tilespmem:$0x1FC80] =	vst v63  }
0x73: {  	s29 =	sand.u32 $0x1FC00, s28  }
0x74: {  	s28 =	sand.u32 $0x380, s28;
	s29 =	sadd.s32 s6, s29  }
0x75: {  	s28 =	sor.u32 s28, s29  }
0x76: {  	s28 =	sshrl.u32 s28, $0x3  }
0x77: {  	s28 =	sadd.s32 s7, s28  }
0x78: {  	[tilespmem:s26], [sflag:$0x2] =	stream.linear.gather [hbm4b:s28+s5], $0x80, $0x38;
	[tilespmem:$0x1FC80] =	vst v63  }
0x79: {  	_ =	swait.ge [sflag:s16], $0x4000  }
0x7a: {  	[sflag:s16] =	ssyncset.done $0x0  }
0x7b: {  	[sflag:s16] =	ssyncadd.s32 $0xFFFFC000  }
0x7c: {  	_ =	swait.ge [sflag:s17], $0x80  }
0x7d: {  	[sflag:s17] =	ssyncset.done $0x0  }
0x7e: {  	s29 =	simm.s32 $0x200;
	[sflag:s17] =	ssyncadd.s32 $0xFFFFFF80  }
0x7f: {  	[tilespmem:s8], [sflag:$0x8] =	stream.indirect.gather [spmem:s4], $0x80, s29, s26, $0xb8;
	[tilespmem:$0x1FC80] =	vst v63  }
0x80: {  	_ =	swait.ge [sflag:s18], $0x4000  }
0x81: {  	[sflag:s18] =	ssyncset.done $0x0  }
0x82: {  	p1 =	seq.s32 s10, $0x6580;
	s25 =	sadd.s32 $0x1000, s25;
	[sflag:s18] =	ssyncadd.s32 $0xFFFFC000  }
0x83: {  	[hbm4b:s25+s5] =	stream.linear.scatter [tilespmem:s11], [sflag:$0xC], $0x4000, $0x38;
	[tilespmem:$0x1FC80] =	vst v63  }
0x84: {  	s25 =	sadd.s32 @!p1 $0xFFFFFE80, s10  }
0x85: {  	s28 =	sadd.s32 $0xFFFFFA80, s10;
	s25 =	sand.u32 @!p1 $0x1FC00, s25  }
0x86: {  	s28 =	sand.u32 @!p1 $0x300, s28;
	s25 =	sadd.s32 @!p1 s6, s25  }
0x87: {  	s25 =	sor.u32 @!p1 s28, s25  }
0x88: {  	s25 =	sshrl.u32 @!p1 s25, $0x3  }
0x89: {  	s29 =	simm.s32 @!p1 $0x100;
	s28 =	simm.s32 @!p1 $0x0;
	s25 =	sadd.s32 @!p1 s7, s25  }
0x8a: {  	[tilespmem:s29], [sflag:$0x3] =	stream.linear.gather @!p1 [hbm4b:s25+s28], $0x80, $0x38;
	[tilespmem:$0x1FC80] =	vst v63  }
0x8b: {  	_ =	swait.ge [sflag:s23], $0x4000  }
0x8c: {  	[sflag:s23] =	ssyncset.done $0x0  }
0x8d: {  	[sflag:s23] =	ssyncadd.s32 $0xFFFFC000  }
0x8e: {  	_ =	swait.ge [sflag:s24], $0x80  }
0x8f: {  	[sflag:s24] =	ssyncset.done $0x0  }
0x90: {  	[sflag:s24] =	ssyncadd.s32 $0xFFFFFF80  }
0x91: {  	[tilespmem:s11], [sflag:$0x9] =	stream.indirect.gather [spmem:s4], $0x80, s31, s26, $0xb8;
	[tilespmem:$0x1FC80] =	vst v63  }
0x92: {  	_ =	swait.ge [sflag:s12], $0x4000  }
0x93: {  	[sflag:s12] =	ssyncset.done $0x0  }
0x94: {  	s29 =	sadd.s32 s1, s22;
	s25 =	sadd.s32 @!p1 $0xFFFFFF00, s10;
	[sflag:s12] =	ssyncadd.s32 $0xFFFFC000  }
0x95: {  	[hbm4b:s29+s5] =	stream.linear.scatter [tilespmem:s2], [sflag:$0xA], $0x4000, $0x38;
	[tilespmem:$0x1FC80] =	vst v63  }
0x96: {  	s29 =	sand.u32 @!p1 $0x1FC00, s25  }
0x97: {  	s25 =	sand.u32 @!p1 $0x380, s25;
	s29 =	sadd.s32 @!p1 s6, s29  }
0x98: {  	s25 =	sor.u32 @!p1 s25, s29  }
0x99: {  	s25 =	sshrl.u32 @!p1 s25, $0x3  }
0x9a: {  	s29 =	simm.s32 @!p1 $0x180;
	s25 =	sadd.s32 @!p1 s7, s25  }
0x9b: {  	[tilespmem:s29], [sflag:$0x4] =	stream.linear.gather @!p1 [hbm4b:s25+s28], $0x80, $0x38;
	[tilespmem:$0x1FC80] =	vst v63  }
0x9c: {  	_ =	swait.ge [sflag:s13], $0x4000  }
0x9d: {  	[sflag:s13] =	ssyncset.done $0x0  }
0x9e: {  	[sflag:s13] =	ssyncadd.s32 $0xFFFFC000  }
0x9f: {  	_ =	swait.ge [sflag:s0], $0x80  }
0xa0: {  	[sflag:s0] =	ssyncset.done $0x0  }
0xa1: {  	[sflag:s0] =	ssyncadd.s32 $0xFFFFFF80  }
0xa2: {  	[tilespmem:s2], [sflag:$0x7] =	stream.indirect.gather [spmem:s4], $0x80, s5, s26, $0xb8;
	[tilespmem:$0x1FC80] =	vst v63  }
0xa3: {  	_ =	swait.ge [sflag:s15], $0x4000  }
0xa4: {  	[sflag:s15] =	ssyncset.done $0x0  }
0xa5: {  	s29 =	sadd.s32 s1, s21;
	s25 =	sadd.s32 @!p1 $0xFFFFFF80, s10;
	[sflag:s15] =	ssyncadd.s32 $0xFFFFC000  }
0xa6: {  	[hbm4b:s29+s5] =	stream.linear.scatter [tilespmem:s8], [sflag:$0xB], $0x4000, $0x38;
	[tilespmem:$0x1FC80] =	vst v63  }
0xa7: {  	s29 =	sand.u32 @!p1 $0x1FC00, s25  }
0xa8: {  	s25 =	sand.u32 @!p1 $0x300, s25;
	s29 =	sadd.s32 @!p1 s6, s29  }
0xa9: {  	s25 =	sor.u32 @!p1 s25, s29  }
0xaa: {  	s25 =	sshrl.u32 @!p1 s25, $0x3  }
0xab: {  	s29 =	simm.s32 @!p1 $0x200;
	s25 =	sadd.s32 @!p1 s7, s25  }
0xac: {  	[tilespmem:s29], [sflag:$0x5] =	stream.linear.gather @!p1 [hbm4b:s25+s28], $0x80, $0x38;
	[tilespmem:$0x1FC80] =	vst v63  }
0xad: {  	_ =	swait.ge [sflag:s16], $0x4000  }
0xae: {  	[sflag:s16] =	ssyncset.done $0x0  }
0xaf: {  	[sflag:s16] =	ssyncadd.s32 $0xFFFFC000  }
0xb0: {  	_ =	swait.ge [sflag:s3], $0x80  }
0xb1: {  	[sflag:s3] =	ssyncset.done $0x0  }
0xb2: {  	[sflag:s3] =	ssyncadd.s32 $0xFFFFFF80  }
0xb3: {  	[tilespmem:s8], [sflag:$0x8] =	stream.indirect.gather [spmem:s4], $0x80, s26, s26, $0xb8;
	[tilespmem:$0x1FC80] =	vst v63  }
.Ltmp2:
0xb4: {  	_ = 	snop;
	(pc) =	sbr.rel @p1 .LBB2_4-.Ltmp2, $4  }
0xb5: {  	_ =	swait.ge [sflag:s18], $0x4000  }
0xb6: {  	[sflag:s18] =	ssyncset.done $0x0  }
0xb7: {  	s29 =	sadd.s32 s1, s20;
	[sflag:s18] =	ssyncadd.s32 $0xFFFFC000  }
0xb8: {  	[hbm4b:s29+s5] =	stream.linear.scatter [tilespmem:s11], [sflag:$0xC], $0x4000, $0x38;
	[tilespmem:$0x1FC80] =	vst v63  }
0xb9: {  	s25 =	sand.u32 $0x1FC00, s10  }
0xba: {  	s28 =	sand.u32 $0x380, s10;
	s25 =	sadd.s32 s6, s25  }
0xbb: {  	s25 =	sor.u32 s28, s25  }
0xbc: {  	s25 =	sshrl.u32 s25, $0x3  }
0xbd: {  	s25 =	sadd.s32 s7, s25  }
0xbe: {  	[tilespmem:s31], [sflag:$0x6] =	stream.linear.gather [hbm4b:s25+s5], $0x80, $0x38;
	[tilespmem:$0x1FC80] =	vst v63  }
0xbf: {  	_ =	swait.ge [sflag:s23], $0x4000  }
0xc0: {  	[sflag:s23] =	ssyncset.done $0x0  }
.Ltmp3:
0xc1: {  	[sflag:s23] =	ssyncadd.s32 $0xFFFFC000;
	(pc) =	sbr.rel .LBB2_2-.Ltmp3, $4  }
0xc2: {  	_ =	swait.ge [sflag:s9], $0x80  }
0xc3: {  	[sflag:s9] =	ssyncset.done $0x0  }
0xc4: {  	s10 =	sadd.s32 $0x300, s10;
	s1 =	sadd.s32 $0x3000, s1;
	[sflag:s9] =	ssyncadd.s32 $0xFFFFFF80  }
0xc5: {  	[tilespmem:s11], [sflag:$0x9] =	stream.indirect.gather [spmem:s4], $0x80, s30, s26, $0xb8;
	[tilespmem:$0x1FC80] =	vst v63  }
.LBB2_5:
0xc6: {  	_ =	sfence.sel $0x180000  }
0xc7: {  	[bflag:$0x0] =	sbarrier.arrive $0xFFFF  }
0xc8: {  	_ =	strace $0x90000047  }
0xc9: {  	s0 =	stileid.u32;
	[bflag:$0x2] =	sbarrier.arrive $0xFFFF  }
0xca: {  	p0 =	sne.s32 s0, $0x0;
	s0 =	rddreg [dreg:$0x4]  }
0xcb: {  	s0 =	sadd.s32 @!p0 $0x100000, s0  }
0xcc: {  	[sflag:s0] =	ssyncadd.tile.s32 @!p0 $0x1;
	_ =	shalt  }
.Lfunc_end2:
_tile_overlayer_lowered:
.L_overlay_start_2:
0xcd: {  	(tag) =	ssettag $0x2  }
0xce: {  	s0 =	rddreg [dreg:$0x0];
	s2 =	stileid.u32  }
0xcf: {  	s1 =	rddreg [dreg:$0x1];
	p0 =	sne.s32 s2, $0x0  }
0xd0: {  	s3 =	rddreg [dreg:$0x2];
	[bflag:$0x3] =	sbarrier.arrive $0xFFFF;
	s2 =	simm.s32 @!p0 $0x1C0E  }
0xd1: {  	[timem:s3], [sflag:s2] =	dma.local @!p0 [hbm:s0], s1  }
0xd2: {  	s0 =	simm.s32 @!p0 $0xE  }
0xd3: {  	_ =	swait.ge @!p0 [sflag:s0], s1  }
0xd4: {  	s1 =	ssub.s32 @!p0 $0x0, s1;
	[sflag:s0] =	ssyncset.done @!p0 $0x0  }
0xd5: {  	[sflag:s0] =	ssyncadd.s32 @!p0 s1  }
0xd6: {  	[bflag:$0x3] =	sbarrier.arrive $0xFFFF  }
0xd7: {  	_ =	shalt  }

</sc_bundles>
